<compile_context>
chip_gen: v7x
topology: tpu7x:2x2x1
jax: 0.10.2.dev20260603
libtpu: 0.0.44.dev20260713+nightly
codegen_flags: <defaults>
</compile_context>

<pallas_src>
import jax
import jax.numpy as jnp
from jax import lax
from jax.experimental import pallas as pl
from jax.experimental.pallas import tpu as pltpu
from jax.experimental.pallas import tpu_sc as plsc

MAX_LEN = 4096
EMB = 128
BATCH = 4

_info = plsc.get_sparse_core_info()
_NC, _NS, _L = _info.num_cores, _info.num_subcores, _info.num_lanes
_NW = _NC * _NS
_CHUNK = (MAX_LEN // _NW) * EMB
_VECS = _CHUNK // _L
_UNROLL = 8
_SEG = 1
_SEG_VECS = _VECS // _SEG
_SEG_ELEMS = _SEG_VECS * _L


def _tpe_body(x_hbm, pos_hbm, out_hbm, pos_v, xb_v, sem_pos, *sems):
    wid = lax.axis_index("s") * _NC + lax.axis_index("c")
    base = wid * _CHUNK
    load_sems = sems[:BATCH]
    store_sems = sems[BATCH:]

    pos_copy = pltpu.async_copy(pos_hbm.at[pl.ds(base, _CHUNK)], pos_v, sem_pos)
    loads = [
        pltpu.async_copy(
            x_hbm.at[pl.ds(b * (MAX_LEN * EMB) + base, _CHUNK)],
            xb_v.at[b], load_sems[b])
        for b in range(BATCH)
    ]
    pos_copy.wait()

    stores = []
    for b in range(BATCH):
        loads[b].wait()
        for s in range(_SEG):

            @plsc.parallel_loop(0, _SEG_VECS, step=1, unroll=_UNROLL)
            def add_body(i, b=b, s=s):
                sl = pl.ds(s * _SEG_ELEMS + i * _L, _L)
                xb_v[b, sl] = xb_v[b, sl] + pos_v[sl]

            stores.append(pltpu.async_copy(
                xb_v.at[b, pl.ds(s * _SEG_ELEMS, _SEG_ELEMS)],
                out_hbm.at[pl.ds(b * (MAX_LEN * EMB) + base + s * _SEG_ELEMS,
                                 _SEG_ELEMS)],
                store_sems[b]))
    for st in stores:
        st.wait()


def kernel(x, pos_table):
    x_flat = x.reshape(-1)
    pos_flat = pos_table.reshape(-1)
    mesh = plsc.VectorSubcoreMesh(core_axis_name="c", subcore_axis_name="s")
    scratch = [
        pltpu.VMEM((_CHUNK,), jnp.float32),
        pltpu.VMEM((BATCH, _CHUNK), jnp.float32),
    ] + [pltpu.SemaphoreType.DMA] * (1 + 2 * BATCH)
    out = pl.kernel(
        _tpe_body,
        mesh=mesh,
        out_type=jax.ShapeDtypeStruct((BATCH * MAX_LEN * EMB,), jnp.float32),
        scratch_types=scratch,
    )(x_flat, pos_flat)
    return out.reshape(BATCH, MAX_LEN, EMB)

# --- scband reference (transcript-rebuilt; emitter-appended) ---
"""Pipeline reference for scband-token-and-position-embedding-1185410974061 (READ-ONLY COPY).

The authoritative reference and input builder live on the scoring server;
editing this copy changes nothing except your own understanding.
"""

import jax, jax.numpy as jnp
import numpy as np

MAX_LEN = 4096
EMB = 128
BATCH = 4

def setup_inputs(seed: int = 0) -> dict:
    key = jax.random.key(seed)
    k1, k2 = jax.random.split(key)
    x = jax.random.normal(k1, (BATCH, MAX_LEN, EMB), dtype=jnp.float32)
    # learned positional embedding table (Keras Embedding default init ~ uniform small)
    pos_table = jax.random.uniform(k2, (MAX_LEN, EMB), dtype=jnp.float32, minval=-0.05, maxval=0.05)
    return {"x": x, "pos_table": pos_table}

def reference(x, pos_table):
    # positions = range(0, max_len); pos_emb lookup -> gather rows of the table
    positions = jnp.take(pos_table, jnp.arange(MAX_LEN), axis=0)
    # num_heads == 1 -> no Dense sensor_emb; just add positional embeddings (broadcast over batch)
    return x + positions[None, :, :]

if __name__ == "__main__":
    import jax
    _d = setup_inputs()
    print(jax.jit(kernel)(*tuple(_d.values())))

</pallas_src>

<mosaic_0001>
#map = affine_map<(d0, d1) -> (0)>
module attributes {stable_mosaic.version = 14 : i64} {
  func.func @_tpe_body(%arg0: i32, %arg1: i32, %arg2: memref<2097152xf32, #tpu.memory_space<hbm>>, %arg3: memref<524288xf32, #tpu.memory_space<hbm>>, %arg4: memref<2097152xf32, #tpu.memory_space<hbm>>, %arg5: memref<16384xf32, #tpu.memory_space<vmem>>, %arg6: memref<4x16384xf32, #tpu.memory_space<vmem>>, %arg7: memref<!tpu.dma_semaphore, #tpu.memory_space<semaphore_mem>>, %arg8: memref<!tpu.dma_semaphore, #tpu.memory_space<semaphore_mem>>, %arg9: memref<!tpu.dma_semaphore, #tpu.memory_space<semaphore_mem>>, %arg10: memref<!tpu.dma_semaphore, #tpu.memory_space<semaphore_mem>>, %arg11: memref<!tpu.dma_semaphore, #tpu.memory_space<semaphore_mem>>, %arg12: memref<!tpu.dma_semaphore, #tpu.memory_space<semaphore_mem>>, %arg13: memref<!tpu.dma_semaphore, #tpu.memory_space<semaphore_mem>>, %arg14: memref<!tpu.dma_semaphore, #tpu.memory_space<semaphore_mem>>, %arg15: memref<!tpu.dma_semaphore, #tpu.memory_space<semaphore_mem>>) attributes {dimension_semantics = [#tpu.dimension_semantics<core_parallel>, #tpu.dimension_semantics<subcore_parallel>], iteration_bounds = array<i64: 2, 16>, scalar_prefetch = 0 : i64, scratch_operands = 11 : i64, tpu.core_type = #tpu.core_type<sc_vector_subcore>, window_params = [{transform_indices = #map}, {transform_indices = #map}, {transform_indices = #map}]} {
    %mul3A = arith.constant 2 : i32
    %mul3A_0 = arith.muli %arg1, %mul3A : i32
    %add3A = arith.addi %mul3A_0, %arg0 : i32
    %mul3A_1 = arith.constant 16384 : i32
    %mul3A_2 = arith.muli %add3A, %mul3A_1 : i32
    %dma_start3A = tpu.memref_slice %arg3[%mul3A_2] : memref<524288xf32, #tpu.memory_space<hbm>> -> memref<16384xf32, #tpu.memory_space<hbm>>
    %dma_start3A_3 = tpu.memref_slice %arg3[%mul3A_2] : memref<524288xf32, #tpu.memory_space<hbm>> -> memref<16384xf32, #tpu.memory_space<hbm>>
    tpu.enqueue_dma source(%dma_start3A_3 : memref<16384xf32, #tpu.memory_space<hbm>>) target(%arg5 : memref<16384xf32, #tpu.memory_space<vmem>>) target_semaphore(%arg7 : memref<!tpu.dma_semaphore, #tpu.memory_space<semaphore_mem>>)
    %add3A_4 = arith.constant 0 : i32
    %add3A_5 = arith.addi %add3A_4, %mul3A_2 : i32
    %dma_start3A_6 = arith.constant 0 : i32
    %dma_start3A_7 = arith.constant 0 : i32
    %dma_start3A_8 = tpu.memref_slice %arg6[%dma_start3A_6, %dma_start3A_7] : memref<4x16384xf32, #tpu.memory_space<vmem>> -> memref<1x16384xf32, #tpu.memory_space<vmem>>
    %dma_start3A_9 = tpu.memref_squeeze %dma_start3A_8 : memref<1x16384xf32, #tpu.memory_space<vmem>> -> memref<16384xf32, #tpu.memory_space<vmem>>
    %dma_start3A_10 = tpu.memref_slice %arg2[%add3A_5] : memref<2097152xf32, #tpu.memory_space<hbm>> -> memref<16384xf32, #tpu.memory_space<hbm>>
    %dma_start3A_11 = arith.constant 0 : i32
    %dma_start3A_12 = tpu.memref_slice %arg6[%dma_start3A_6, %dma_start3A_11] : memref<4x16384xf32, #tpu.memory_space<vmem>> -> memref<1x16384xf32, #tpu.memory_space<vmem>>
    %dma_start3A_13 = tpu.memref_squeeze %dma_start3A_12 : memref<1x16384xf32, #tpu.memory_space<vmem>> -> memref<16384xf32, #tpu.memory_space<vmem>>
    %dma_start3A_14 = tpu.memref_slice %arg2[%add3A_5] : memref<2097152xf32, #tpu.memory_space<hbm>> -> memref<16384xf32, #tpu.memory_space<hbm>>
    tpu.enqueue_dma source(%dma_start3A_14 : memref<16384xf32, #tpu.memory_space<hbm>>) target(%dma_start3A_13 : memref<16384xf32, #tpu.memory_space<vmem>>) target_semaphore(%arg8 : memref<!tpu.dma_semaphore, #tpu.memory_space<semaphore_mem>>)
    %add3A_15 = arith.constant 524288 : i32
    %add3A_16 = arith.addi %add3A_15, %mul3A_2 : i32
    %dma_start3A_17 = arith.constant 1 : i32
    %dma_start3A_18 = arith.constant 0 : i32
    %dma_start3A_19 = tpu.memref_slice %arg6[%dma_start3A_17, %dma_start3A_18] : memref<4x16384xf32, #tpu.memory_space<vmem>> -> memref<1x16384xf32, #tpu.memory_space<vmem>>
    %dma_start3A_20 = tpu.memref_squeeze %dma_start3A_19 : memref<1x16384xf32, #tpu.memory_space<vmem>> -> memref<16384xf32, #tpu.memory_space<vmem>>
    %dma_start3A_21 = tpu.memref_slice %arg2[%add3A_16] : memref<2097152xf32, #tpu.memory_space<hbm>> -> memref<16384xf32, #tpu.memory_space<hbm>>
    %dma_start3A_22 = arith.constant 0 : i32
    %dma_start3A_23 = tpu.memref_slice %arg6[%dma_start3A_17, %dma_start3A_22] : memref<4x16384xf32, #tpu.memory_space<vmem>> -> memref<1x16384xf32, #tpu.memory_space<vmem>>
    %dma_start3A_24 = tpu.memref_squeeze %dma_start3A_23 : memref<1x16384xf32, #tpu.memory_space<vmem>> -> memref<16384xf32, #tpu.memory_space<vmem>>
    %dma_start3A_25 = tpu.memref_slice %arg2[%add3A_16] : memref<2097152xf32, #tpu.memory_space<hbm>> -> memref<16384xf32, #tpu.memory_space<hbm>>
    tpu.enqueue_dma source(%dma_start3A_25 : memref<16384xf32, #tpu.memory_space<hbm>>) target(%dma_start3A_24 : memref<16384xf32, #tpu.memory_space<vmem>>) target_semaphore(%arg9 : memref<!tpu.dma_semaphore, #tpu.memory_space<semaphore_mem>>)
    %add3A_26 = arith.constant 1048576 : i32
    %add3A_27 = arith.addi %add3A_26, %mul3A_2 : i32
    %dma_start3A_28 = arith.constant 2 : i32
    %dma_start3A_29 = arith.constant 0 : i32
    %dma_start3A_30 = tpu.memref_slice %arg6[%dma_start3A_28, %dma_start3A_29] : memref<4x16384xf32, #tpu.memory_space<vmem>> -> memref<1x16384xf32, #tpu.memory_space<vmem>>
    %dma_start3A_31 = tpu.memref_squeeze %dma_start3A_30 : memref<1x16384xf32, #tpu.memory_space<vmem>> -> memref<16384xf32, #tpu.memory_space<vmem>>
    %dma_start3A_32 = tpu.memref_slice %arg2[%add3A_27] : memref<2097152xf32, #tpu.memory_space<hbm>> -> memref<16384xf32, #tpu.memory_space<hbm>>
    %dma_start3A_33 = arith.constant 0 : i32
    %dma_start3A_34 = tpu.memref_slice %arg6[%dma_start3A_28, %dma_start3A_33] : memref<4x16384xf32, #tpu.memory_space<vmem>> -> memref<1x16384xf32, #tpu.memory_space<vmem>>
    %dma_start3A_35 = tpu.memref_squeeze %dma_start3A_34 : memref<1x16384xf32, #tpu.memory_space<vmem>> -> memref<16384xf32, #tpu.memory_space<vmem>>
    %dma_start3A_36 = tpu.memref_slice %arg2[%add3A_27] : memref<2097152xf32, #tpu.memory_space<hbm>> -> memref<16384xf32, #tpu.memory_space<hbm>>
    tpu.enqueue_dma source(%dma_start3A_36 : memref<16384xf32, #tpu.memory_space<hbm>>) target(%dma_start3A_35 : memref<16384xf32, #tpu.memory_space<vmem>>) target_semaphore(%arg10 : memref<!tpu.dma_semaphore, #tpu.memory_space<semaphore_mem>>)
    %add3A_37 = arith.constant 1572864 : i32
    %add3A_38 = arith.addi %add3A_37, %mul3A_2 : i32
    %dma_start3A_39 = arith.constant 3 : i32
    %dma_start3A_40 = arith.constant 0 : i32
    %dma_start3A_41 = tpu.memref_slice %arg6[%dma_start3A_39, %dma_start3A_40] : memref<4x16384xf32, #tpu.memory_space<vmem>> -> memref<1x16384xf32, #tpu.memory_space<vmem>>
    %dma_start3A_42 = tpu.memref_squeeze %dma_start3A_41 : memref<1x16384xf32, #tpu.memory_space<vmem>> -> memref<16384xf32, #tpu.memory_space<vmem>>
    %dma_start3A_43 = tpu.memref_slice %arg2[%add3A_38] : memref<2097152xf32, #tpu.memory_space<hbm>> -> memref<16384xf32, #tpu.memory_space<hbm>>
    %dma_start3A_44 = arith.constant 0 : i32
    %dma_start3A_45 = tpu.memref_slice %arg6[%dma_start3A_39, %dma_start3A_44] : memref<4x16384xf32, #tpu.memory_space<vmem>> -> memref<1x16384xf32, #tpu.memory_space<vmem>>
    %dma_start3A_46 = tpu.memref_squeeze %dma_start3A_45 : memref<1x16384xf32, #tpu.memory_space<vmem>> -> memref<16384xf32, #tpu.memory_space<vmem>>
    %dma_start3A_47 = tpu.memref_slice %arg2[%add3A_38] : memref<2097152xf32, #tpu.memory_space<hbm>> -> memref<16384xf32, #tpu.memory_space<hbm>>
    tpu.enqueue_dma source(%dma_start3A_47 : memref<16384xf32, #tpu.memory_space<hbm>>) target(%dma_start3A_46 : memref<16384xf32, #tpu.memory_space<vmem>>) target_semaphore(%arg11 : memref<!tpu.dma_semaphore, #tpu.memory_space<semaphore_mem>>)
    %dma_wait3A = tpu.memref_slice %arg3[%mul3A_2] : memref<524288xf32, #tpu.memory_space<hbm>> -> memref<16384xf32, #tpu.memory_space<hbm>>
    %dma_wait3A_48 = tpu.memref_slice %arg3[%mul3A_2] : memref<524288xf32, #tpu.memory_space<hbm>> -> memref<16384xf32, #tpu.memory_space<hbm>>
    tpu.wait_dma2 semaphore(%arg7 : memref<!tpu.dma_semaphore, #tpu.memory_space<semaphore_mem>>) src(%dma_wait3A_48 : memref<16384xf32, #tpu.memory_space<hbm>>) dst(%arg5 : memref<16384xf32, #tpu.memory_space<vmem>>)
    %dma_wait3A_49 = arith.constant 0 : i32
    %dma_wait3A_50 = arith.constant 0 : i32
    %dma_wait3A_51 = tpu.memref_slice %arg6[%dma_wait3A_49, %dma_wait3A_50] : memref<4x16384xf32, #tpu.memory_space<vmem>> -> memref<1x16384xf32, #tpu.memory_space<vmem>>
    %dma_wait3A_52 = tpu.memref_squeeze %dma_wait3A_51 : memref<1x16384xf32, #tpu.memory_space<vmem>> -> memref<16384xf32, #tpu.memory_space<vmem>>
    %dma_wait3A_53 = tpu.memref_slice %arg2[%add3A_5] : memref<2097152xf32, #tpu.memory_space<hbm>> -> memref<16384xf32, #tpu.memory_space<hbm>>
    %dma_wait3A_54 = arith.constant 0 : i32
    %dma_wait3A_55 = tpu.memref_slice %arg6[%dma_wait3A_49, %dma_wait3A_54] : memref<4x16384xf32, #tpu.memory_space<vmem>> -> memref<1x16384xf32, #tpu.memory_space<vmem>>
    %dma_wait3A_56 = tpu.memref_squeeze %dma_wait3A_55 : memref<1x16384xf32, #tpu.memory_space<vmem>> -> memref<16384xf32, #tpu.memory_space<vmem>>
    %dma_wait3A_57 = tpu.memref_slice %arg2[%add3A_5] : memref<2097152xf32, #tpu.memory_space<hbm>> -> memref<16384xf32, #tpu.memory_space<hbm>>
    tpu.wait_dma2 semaphore(%arg8 : memref<!tpu.dma_semaphore, #tpu.memory_space<semaphore_mem>>) src(%dma_wait3A_57 : memref<16384xf32, #tpu.memory_space<hbm>>) dst(%dma_wait3A_56 : memref<16384xf32, #tpu.memory_space<vmem>>)
    %parallel_loop3A = arith.constant 0 : i32
    %parallel_loop3A_58 = arith.constant 1024 : i32
    %parallel_loop3A_59 = arith.constant 1 : i32
    scf.for %parallel_loop3A_184 = %parallel_loop3A to %parallel_loop3A_58 step %parallel_loop3A_59  : i32 {
      %parallel_loop3A_185 = arith.constant 16 : i32
      %parallel_loop3A_186 = arith.muli %parallel_loop3A_184, %parallel_loop3A_185 : i32
      %parallel_loop3A_187 = arith.constant 0 : i32
      %parallel_loop3A_188 = arith.addi %parallel_loop3A_187, %parallel_loop3A_186 : i32
      %parallel_loop3A_189 = arith.constant 0 : i32
      %parallel_loop3A_190 = arith.index_cast %parallel_loop3A_189 : i32 to index
      %parallel_loop3A_191 = arith.index_cast %parallel_loop3A_188 : i32 to index
      %parallel_loop3A_192 = tpu.vector_load %arg6[%parallel_loop3A_190, %parallel_loop3A_191] {strides = array<i32>} : memref<4x16384xf32, #tpu.memory_space<vmem>>, vector<1x16xf32>,
      %parallel_loop3A_193 = vector.shape_cast %parallel_loop3A_192 : vector<1x16xf32> to vector<16xf32>
      %parallel_loop3A_194 = arith.index_cast %parallel_loop3A_188 : i32 to index
      %parallel_loop3A_195 = tpu.vector_load %arg5[%parallel_loop3A_194] {strides = array<i32>} : memref<16384xf32, #tpu.memory_space<vmem>>, vector<16xf32>,
      %parallel_loop3A_196 = vector.shape_cast %parallel_loop3A_195 : vector<16xf32> to vector<16xf32>
      %parallel_loop3A_197 = arith.addf %parallel_loop3A_193, %parallel_loop3A_196 : vector<16xf32>
      %parallel_loop3A_198 = arith.constant 0 : i32
      %parallel_loop3A_199 = arith.index_cast %parallel_loop3A_198 : i32 to index
      %parallel_loop3A_200 = arith.index_cast %parallel_loop3A_188 : i32 to index
      %parallel_loop3A_201 = tpu.vector_load %arg6[%parallel_loop3A_199, %parallel_loop3A_200] {strides = array<i32>} : memref<4x16384xf32, #tpu.memory_space<vmem>>, vector<1x16xf32>,
      %parallel_loop3A_202 = vector.shape_cast %parallel_loop3A_201 : vector<1x16xf32> to vector<16xf32>
      %parallel_loop3A_203 = vector.shape_cast %parallel_loop3A_197 : vector<16xf32> to vector<1x16xf32>
      tpu.vector_store %arg6[%parallel_loop3A_199, %parallel_loop3A_200], %parallel_loop3A_203 {strides = array<i32>} : memref<4x16384xf32, #tpu.memory_space<vmem>>, vector<1x16xf32>,
    } {sc.loop_unroll_factor = 8 : i64, sc.parallel_access}
    %add3A_60 = arith.constant 0 : i32
    %add3A_61 = arith.addi %add3A_60, %mul3A_2 : i32
    %add3A_62 = arith.constant 0 : i32
    %add3A_63 = arith.addi %add3A_61, %add3A_62 : i32
    %dma_start3A_64 = arith.constant 0 : i32
    %dma_start3A_65 = arith.constant 0 : i32
    %dma_start3A_66 = tpu.memref_slice %arg6[%dma_start3A_64, %dma_start3A_65] : memref<4x16384xf32, #tpu.memory_space<vmem>> -> memref<1x16384xf32, #tpu.memory_space<vmem>>
    %dma_start3A_67 = tpu.memref_squeeze %dma_start3A_66 : memref<1x16384xf32, #tpu.memory_space<vmem>> -> memref<16384xf32, #tpu.memory_space<vmem>>
    %dma_start3A_68 = tpu.memref_slice %arg4[%add3A_63] : memref<2097152xf32, #tpu.memory_space<hbm>> -> memref<16384xf32, #tpu.memory_space<hbm>>
    %dma_start3A_69 = tpu.memref_slice %arg4[%add3A_63] : memref<2097152xf32, #tpu.memory_space<hbm>> -> memref<16384xf32, #tpu.memory_space<hbm>>
    %dma_start3A_70 = arith.constant 0 : i32
    %dma_start3A_71 = tpu.memref_slice %arg6[%dma_start3A_64, %dma_start3A_70] : memref<4x16384xf32, #tpu.memory_space<vmem>> -> memref<1x16384xf32, #tpu.memory_space<vmem>>
    %dma_start3A_72 = tpu.memref_squeeze %dma_start3A_71 : memref<1x16384xf32, #tpu.memory_space<vmem>> -> memref<16384xf32, #tpu.memory_space<vmem>>
    tpu.enqueue_dma source(%dma_start3A_72 : memref<16384xf32, #tpu.memory_space<vmem>>) target(%dma_start3A_69 : memref<16384xf32, #tpu.memory_space<hbm>>) target_semaphore(%arg12 : memref<!tpu.dma_semaphore, #tpu.memory_space<semaphore_mem>>)
    %dma_wait3A_73 = arith.constant 1 : i32
    %dma_wait3A_74 = arith.constant 0 : i32
    %dma_wait3A_75 = tpu.memref_slice %arg6[%dma_wait3A_73, %dma_wait3A_74] : memref<4x16384xf32, #tpu.memory_space<vmem>> -> memref<1x16384xf32, #tpu.memory_space<vmem>>
    %dma_wait3A_76 = tpu.memref_squeeze %dma_wait3A_75 : memref<1x16384xf32, #tpu.memory_space<vmem>> -> memref<16384xf32, #tpu.memory_space<vmem>>
    %dma_wait3A_77 = tpu.memref_slice %arg2[%add3A_16] : memref<2097152xf32, #tpu.memory_space<hbm>> -> memref<16384xf32, #tpu.memory_space<hbm>>
    %dma_wait3A_78 = arith.constant 0 : i32
    %dma_wait3A_79 = tpu.memref_slice %arg6[%dma_wait3A_73, %dma_wait3A_78] : memref<4x16384xf32, #tpu.memory_space<vmem>> -> memref<1x16384xf32, #tpu.memory_space<vmem>>
    %dma_wait3A_80 = tpu.memref_squeeze %dma_wait3A_79 : memref<1x16384xf32, #tpu.memory_space<vmem>> -> memref<16384xf32, #tpu.memory_space<vmem>>
    %dma_wait3A_81 = tpu.memref_slice %arg2[%add3A_16] : memref<2097152xf32, #tpu.memory_space<hbm>> -> memref<16384xf32, #tpu.memory_space<hbm>>
    tpu.wait_dma2 semaphore(%arg9 : memref<!tpu.dma_semaphore, #tpu.memory_space<semaphore_mem>>) src(%dma_wait3A_81 : memref<16384xf32, #tpu.memory_space<hbm>>) dst(%dma_wait3A_80 : memref<16384xf32, #tpu.memory_space<vmem>>)
    %parallel_loop3A_82 = arith.constant 0 : i32
    %parallel_loop3A_83 = arith.constant 1024 : i32
    %parallel_loop3A_84 = arith.constant 1 : i32
    scf.for %parallel_loop3A_184 = %parallel_loop3A_82 to %parallel_loop3A_83 step %parallel_loop3A_84  : i32 {
      %parallel_loop3A_185 = arith.constant 16 : i32
      %parallel_loop3A_186 = arith.muli %parallel_loop3A_184, %parallel_loop3A_185 : i32
      %parallel_loop3A_187 = arith.constant 0 : i32
      %parallel_loop3A_188 = arith.addi %parallel_loop3A_187, %parallel_loop3A_186 : i32
      %parallel_loop3A_189 = arith.constant 1 : i32
      %parallel_loop3A_190 = arith.index_cast %parallel_loop3A_189 : i32 to index
      %parallel_loop3A_191 = arith.index_cast %parallel_loop3A_188 : i32 to index
      %parallel_loop3A_192 = tpu.vector_load %arg6[%parallel_loop3A_190, %parallel_loop3A_191] {strides = array<i32>} : memref<4x16384xf32, #tpu.memory_space<vmem>>, vector<1x16xf32>,
      %parallel_loop3A_193 = vector.shape_cast %parallel_loop3A_192 : vector<1x16xf32> to vector<16xf32>
      %parallel_loop3A_194 = arith.index_cast %parallel_loop3A_188 : i32 to index
      %parallel_loop3A_195 = tpu.vector_load %arg5[%parallel_loop3A_194] {strides = array<i32>} : memref<16384xf32, #tpu.memory_space<vmem>>, vector<16xf32>,
      %parallel_loop3A_196 = vector.shape_cast %parallel_loop3A_195 : vector<16xf32> to vector<16xf32>
      %parallel_loop3A_197 = arith.addf %parallel_loop3A_193, %parallel_loop3A_196 : vector<16xf32>
      %parallel_loop3A_198 = arith.constant 1 : i32
      %parallel_loop3A_199 = arith.index_cast %parallel_loop3A_198 : i32 to index
      %parallel_loop3A_200 = arith.index_cast %parallel_loop3A_188 : i32 to index
      %parallel_loop3A_201 = tpu.vector_load %arg6[%parallel_loop3A_199, %parallel_loop3A_200] {strides = array<i32>} : memref<4x16384xf32, #tpu.memory_space<vmem>>, vector<1x16xf32>,
      %parallel_loop3A_202 = vector.shape_cast %parallel_loop3A_201 : vector<1x16xf32> to vector<16xf32>
      %parallel_loop3A_203 = vector.shape_cast %parallel_loop3A_197 : vector<16xf32> to vector<1x16xf32>
      tpu.vector_store %arg6[%parallel_loop3A_199, %parallel_loop3A_200], %parallel_loop3A_203 {strides = array<i32>} : memref<4x16384xf32, #tpu.memory_space<vmem>>, vector<1x16xf32>,
    } {sc.loop_unroll_factor = 8 : i64, sc.parallel_access}
    %add3A_85 = arith.constant 524288 : i32
    %add3A_86 = arith.addi %add3A_85, %mul3A_2 : i32
    %add3A_87 = arith.constant 0 : i32
    %add3A_88 = arith.addi %add3A_86, %add3A_87 : i32
    %dma_start3A_89 = arith.constant 1 : i32
    %dma_start3A_90 = arith.constant 0 : i32
    %dma_start3A_91 = tpu.memref_slice %arg6[%dma_start3A_89, %dma_start3A_90] : memref<4x16384xf32, #tpu.memory_space<vmem>> -> memref<1x16384xf32, #tpu.memory_space<vmem>>
    %dma_start3A_92 = tpu.memref_squeeze %dma_start3A_91 : memref<1x16384xf32, #tpu.memory_space<vmem>> -> memref<16384xf32, #tpu.memory_space<vmem>>
    %dma_start3A_93 = tpu.memref_slice %arg4[%add3A_88] : memref<2097152xf32, #tpu.memory_space<hbm>> -> memref<16384xf32, #tpu.memory_space<hbm>>
    %dma_start3A_94 = tpu.memref_slice %arg4[%add3A_88] : memref<2097152xf32, #tpu.memory_space<hbm>> -> memref<16384xf32, #tpu.memory_space<hbm>>
    %dma_start3A_95 = arith.constant 0 : i32
    %dma_start3A_96 = tpu.memref_slice %arg6[%dma_start3A_89, %dma_start3A_95] : memref<4x16384xf32, #tpu.memory_space<vmem>> -> memref<1x16384xf32, #tpu.memory_space<vmem>>
    %dma_start3A_97 = tpu.memref_squeeze %dma_start3A_96 : memref<1x16384xf32, #tpu.memory_space<vmem>> -> memref<16384xf32, #tpu.memory_space<vmem>>
    tpu.enqueue_dma source(%dma_start3A_97 : memref<16384xf32, #tpu.memory_space<vmem>>) target(%dma_start3A_94 : memref<16384xf32, #tpu.memory_space<hbm>>) target_semaphore(%arg13 : memref<!tpu.dma_semaphore, #tpu.memory_space<semaphore_mem>>)
    %dma_wait3A_98 = arith.constant 2 : i32
    %dma_wait3A_99 = arith.constant 0 : i32
    %dma_wait3A_100 = tpu.memref_slice %arg6[%dma_wait3A_98, %dma_wait3A_99] : memref<4x16384xf32, #tpu.memory_space<vmem>> -> memref<1x16384xf32, #tpu.memory_space<vmem>>
    %dma_wait3A_101 = tpu.memref_squeeze %dma_wait3A_100 : memref<1x16384xf32, #tpu.memory_space<vmem>> -> memref<16384xf32, #tpu.memory_space<vmem>>
    %dma_wait3A_102 = tpu.memref_slice %arg2[%add3A_27] : memref<2097152xf32, #tpu.memory_space<hbm>> -> memref<16384xf32, #tpu.memory_space<hbm>>
    %dma_wait3A_103 = arith.constant 0 : i32
    %dma_wait3A_104 = tpu.memref_slice %arg6[%dma_wait3A_98, %dma_wait3A_103] : memref<4x16384xf32, #tpu.memory_space<vmem>> -> memref<1x16384xf32, #tpu.memory_space<vmem>>
    %dma_wait3A_105 = tpu.memref_squeeze %dma_wait3A_104 : memref<1x16384xf32, #tpu.memory_space<vmem>> -> memref<16384xf32, #tpu.memory_space<vmem>>
    %dma_wait3A_106 = tpu.memref_slice %arg2[%add3A_27] : memref<2097152xf32, #tpu.memory_space<hbm>> -> memref<16384xf32, #tpu.memory_space<hbm>>
    tpu.wait_dma2 semaphore(%arg10 : memref<!tpu.dma_semaphore, #tpu.memory_space<semaphore_mem>>) src(%dma_wait3A_106 : memref<16384xf32, #tpu.memory_space<hbm>>) dst(%dma_wait3A_105 : memref<16384xf32, #tpu.memory_space<vmem>>)
    %parallel_loop3A_107 = arith.constant 0 : i32
    %parallel_loop3A_108 = arith.constant 1024 : i32
    %parallel_loop3A_109 = arith.constant 1 : i32
    scf.for %parallel_loop3A_184 = %parallel_loop3A_107 to %parallel_loop3A_108 step %parallel_loop3A_109  : i32 {
      %parallel_loop3A_185 = arith.constant 16 : i32
      %parallel_loop3A_186 = arith.muli %parallel_loop3A_184, %parallel_loop3A_185 : i32
      %parallel_loop3A_187 = arith.constant 0 : i32
      %parallel_loop3A_188 = arith.addi %parallel_loop3A_187, %parallel_loop3A_186 : i32
      %parallel_loop3A_189 = arith.constant 2 : i32
      %parallel_loop3A_190 = arith.index_cast %parallel_loop3A_189 : i32 to index
      %parallel_loop3A_191 = arith.index_cast %parallel_loop3A_188 : i32 to index
      %parallel_loop3A_192 = tpu.vector_load %arg6[%parallel_loop3A_190, %parallel_loop3A_191] {strides = array<i32>} : memref<4x16384xf32, #tpu.memory_space<vmem>>, vector<1x16xf32>,
      %parallel_loop3A_193 = vector.shape_cast %parallel_loop3A_192 : vector<1x16xf32> to vector<16xf32>
      %parallel_loop3A_194 = arith.index_cast %parallel_loop3A_188 : i32 to index
      %parallel_loop3A_195 = tpu.vector_load %arg5[%parallel_loop3A_194] {strides = array<i32>} : memref<16384xf32, #tpu.memory_space<vmem>>, vector<16xf32>,
      %parallel_loop3A_196 = vector.shape_cast %parallel_loop3A_195 : vector<16xf32> to vector<16xf32>
      %parallel_loop3A_197 = arith.addf %parallel_loop3A_193, %parallel_loop3A_196 : vector<16xf32>
      %parallel_loop3A_198 = arith.constant 2 : i32
      %parallel_loop3A_199 = arith.index_cast %parallel_loop3A_198 : i32 to index
      %parallel_loop3A_200 = arith.index_cast %parallel_loop3A_188 : i32 to index
      %parallel_loop3A_201 = tpu.vector_load %arg6[%parallel_loop3A_199, %parallel_loop3A_200] {strides = array<i32>} : memref<4x16384xf32, #tpu.memory_space<vmem>>, vector<1x16xf32>,
      %parallel_loop3A_202 = vector.shape_cast %parallel_loop3A_201 : vector<1x16xf32> to vector<16xf32>
      %parallel_loop3A_203 = vector.shape_cast %parallel_loop3A_197 : vector<16xf32> to vector<1x16xf32>
      tpu.vector_store %arg6[%parallel_loop3A_199, %parallel_loop3A_200], %parallel_loop3A_203 {strides = array<i32>} : memref<4x16384xf32, #tpu.memory_space<vmem>>, vector<1x16xf32>,
    } {sc.loop_unroll_factor = 8 : i64, sc.parallel_access}
    %add3A_110 = arith.constant 1048576 : i32
    %add3A_111 = arith.addi %add3A_110, %mul3A_2 : i32
    %add3A_112 = arith.constant 0 : i32
    %add3A_113 = arith.addi %add3A_111, %add3A_112 : i32
    %dma_start3A_114 = arith.constant 2 : i32
    %dma_start3A_115 = arith.constant 0 : i32
    %dma_start3A_116 = tpu.memref_slice %arg6[%dma_start3A_114, %dma_start3A_115] : memref<4x16384xf32, #tpu.memory_space<vmem>> -> memref<1x16384xf32, #tpu.memory_space<vmem>>
    %dma_start3A_117 = tpu.memref_squeeze %dma_start3A_116 : memref<1x16384xf32, #tpu.memory_space<vmem>> -> memref<16384xf32, #tpu.memory_space<vmem>>
    %dma_start3A_118 = tpu.memref_slice %arg4[%add3A_113] : memref<2097152xf32, #tpu.memory_space<hbm>> -> memref<16384xf32, #tpu.memory_space<hbm>>
    %dma_start3A_119 = tpu.memref_slice %arg4[%add3A_113] : memref<2097152xf32, #tpu.memory_space<hbm>> -> memref<16384xf32, #tpu.memory_space<hbm>>
    %dma_start3A_120 = arith.constant 0 : i32
    %dma_start3A_121 = tpu.memref_slice %arg6[%dma_start3A_114, %dma_start3A_120] : memref<4x16384xf32, #tpu.memory_space<vmem>> -> memref<1x16384xf32, #tpu.memory_space<vmem>>
    %dma_start3A_122 = tpu.memref_squeeze %dma_start3A_121 : memref<1x16384xf32, #tpu.memory_space<vmem>> -> memref<16384xf32, #tpu.memory_space<vmem>>
    tpu.enqueue_dma source(%dma_start3A_122 : memref<16384xf32, #tpu.memory_space<vmem>>) target(%dma_start3A_119 : memref<16384xf32, #tpu.memory_space<hbm>>) target_semaphore(%arg14 : memref<!tpu.dma_semaphore, #tpu.memory_space<semaphore_mem>>)
    %dma_wait3A_123 = arith.constant 3 : i32
    %dma_wait3A_124 = arith.constant 0 : i32
    %dma_wait3A_125 = tpu.memref_slice %arg6[%dma_wait3A_123, %dma_wait3A_124] : memref<4x16384xf32, #tpu.memory_space<vmem>> -> memref<1x16384xf32, #tpu.memory_space<vmem>>
    %dma_wait3A_126 = tpu.memref_squeeze %dma_wait3A_125 : memref<1x16384xf32, #tpu.memory_space<vmem>> -> memref<16384xf32, #tpu.memory_space<vmem>>
    %dma_wait3A_127 = tpu.memref_slice %arg2[%add3A_38] : memref<2097152xf32, #tpu.memory_space<hbm>> -> memref<16384xf32, #tpu.memory_space<hbm>>
    %dma_wait3A_128 = arith.constant 0 : i32
    %dma_wait3A_129 = tpu.memref_slice %arg6[%dma_wait3A_123, %dma_wait3A_128] : memref<4x16384xf32, #tpu.memory_space<vmem>> -> memref<1x16384xf32, #tpu.memory_space<vmem>>
    %dma_wait3A_130 = tpu.memref_squeeze %dma_wait3A_129 : memref<1x16384xf32, #tpu.memory_space<vmem>> -> memref<16384xf32, #tpu.memory_space<vmem>>
    %dma_wait3A_131 = tpu.memref_slice %arg2[%add3A_38] : memref<2097152xf32, #tpu.memory_space<hbm>> -> memref<16384xf32, #tpu.memory_space<hbm>>
    tpu.wait_dma2 semaphore(%arg11 : memref<!tpu.dma_semaphore, #tpu.memory_space<semaphore_mem>>) src(%dma_wait3A_131 : memref<16384xf32, #tpu.memory_space<hbm>>) dst(%dma_wait3A_130 : memref<16384xf32, #tpu.memory_space<vmem>>)
    %parallel_loop3A_132 = arith.constant 0 : i32
    %parallel_loop3A_133 = arith.constant 1024 : i32
    %parallel_loop3A_134 = arith.constant 1 : i32
    scf.for %parallel_loop3A_184 = %parallel_loop3A_132 to %parallel_loop3A_133 step %parallel_loop3A_134  : i32 {
      %parallel_loop3A_185 = arith.constant 16 : i32
      %parallel_loop3A_186 = arith.muli %parallel_loop3A_184, %parallel_loop3A_185 : i32
      %parallel_loop3A_187 = arith.constant 0 : i32
      %parallel_loop3A_188 = arith.addi %parallel_loop3A_187, %parallel_loop3A_186 : i32
      %parallel_loop3A_189 = arith.constant 3 : i32
      %parallel_loop3A_190 = arith.index_cast %parallel_loop3A_189 : i32 to index
      %parallel_loop3A_191 = arith.index_cast %parallel_loop3A_188 : i32 to index
      %parallel_loop3A_192 = tpu.vector_load %arg6[%parallel_loop3A_190, %parallel_loop3A_191] {strides = array<i32>} : memref<4x16384xf32, #tpu.memory_space<vmem>>, vector<1x16xf32>,
      %parallel_loop3A_193 = vector.shape_cast %parallel_loop3A_192 : vector<1x16xf32> to vector<16xf32>
      %parallel_loop3A_194 = arith.index_cast %parallel_loop3A_188 : i32 to index
      %parallel_loop3A_195 = tpu.vector_load %arg5[%parallel_loop3A_194] {strides = array<i32>} : memref<16384xf32, #tpu.memory_space<vmem>>, vector<16xf32>,
      %parallel_loop3A_196 = vector.shape_cast %parallel_loop3A_195 : vector<16xf32> to vector<16xf32>
      %parallel_loop3A_197 = arith.addf %parallel_loop3A_193, %parallel_loop3A_196 : vector<16xf32>
      %parallel_loop3A_198 = arith.constant 3 : i32
      %parallel_loop3A_199 = arith.index_cast %parallel_loop3A_198 : i32 to index
      %parallel_loop3A_200 = arith.index_cast %parallel_loop3A_188 : i32 to index
      %parallel_loop3A_201 = tpu.vector_load %arg6[%parallel_loop3A_199, %parallel_loop3A_200] {strides = array<i32>} : memref<4x16384xf32, #tpu.memory_space<vmem>>, vector<1x16xf32>,
      %parallel_loop3A_202 = vector.shape_cast %parallel_loop3A_201 : vector<1x16xf32> to vector<16xf32>
      %parallel_loop3A_203 = vector.shape_cast %parallel_loop3A_197 : vector<16xf32> to vector<1x16xf32>
      tpu.vector_store %arg6[%parallel_loop3A_199, %parallel_loop3A_200], %parallel_loop3A_203 {strides = array<i32>} : memref<4x16384xf32, #tpu.memory_space<vmem>>, vector<1x16xf32>,
    } {sc.loop_unroll_factor = 8 : i64, sc.parallel_access}
    %add3A_135 = arith.constant 1572864 : i32
    %add3A_136 = arith.addi %add3A_135, %mul3A_2 : i32
    %add3A_137 = arith.constant 0 : i32
    %add3A_138 = arith.addi %add3A_136, %add3A_137 : i32
    %dma_start3A_139 = arith.constant 3 : i32
    %dma_start3A_140 = arith.constant 0 : i32
    %dma_start3A_141 = tpu.memref_slice %arg6[%dma_start3A_139, %dma_start3A_140] : memref<4x16384xf32, #tpu.memory_space<vmem>> -> memref<1x16384xf32, #tpu.memory_space<vmem>>
    %dma_start3A_142 = tpu.memref_squeeze %dma_start3A_141 : memref<1x16384xf32, #tpu.memory_space<vmem>> -> memref<16384xf32, #tpu.memory_space<vmem>>
    %dma_start3A_143 = tpu.memref_slice %arg4[%add3A_138] : memref<2097152xf32, #tpu.memory_space<hbm>> -> memref<16384xf32, #tpu.memory_space<hbm>>
    %dma_start3A_144 = tpu.memref_slice %arg4[%add3A_138] : memref<2097152xf32, #tpu.memory_space<hbm>> -> memref<16384xf32, #tpu.memory_space<hbm>>
    %dma_start3A_145 = arith.constant 0 : i32
    %dma_start3A_146 = tpu.memref_slice %arg6[%dma_start3A_139, %dma_start3A_145] : memref<4x16384xf32, #tpu.memory_space<vmem>> -> memref<1x16384xf32, #tpu.memory_space<vmem>>
    %dma_start3A_147 = tpu.memref_squeeze %dma_start3A_146 : memref<1x16384xf32, #tpu.memory_space<vmem>> -> memref<16384xf32, #tpu.memory_space<vmem>>
    tpu.enqueue_dma source(%dma_start3A_147 : memref<16384xf32, #tpu.memory_space<vmem>>) target(%dma_start3A_144 : memref<16384xf32, #tpu.memory_space<hbm>>) target_semaphore(%arg15 : memref<!tpu.dma_semaphore, #tpu.memory_space<semaphore_mem>>)
    %dma_wait3A_148 = arith.constant 0 : i32
    %dma_wait3A_149 = arith.constant 0 : i32
    %dma_wait3A_150 = tpu.memref_slice %arg6[%dma_wait3A_148, %dma_wait3A_149] : memref<4x16384xf32, #tpu.memory_space<vmem>> -> memref<1x16384xf32, #tpu.memory_space<vmem>>
    %dma_wait3A_151 = tpu.memref_squeeze %dma_wait3A_150 : memref<1x16384xf32, #tpu.memory_space<vmem>> -> memref<16384xf32, #tpu.memory_space<vmem>>
    %dma_wait3A_152 = tpu.memref_slice %arg4[%add3A_63] : memref<2097152xf32, #tpu.memory_space<hbm>> -> memref<16384xf32, #tpu.memory_space<hbm>>
    %dma_wait3A_153 = tpu.memref_slice %arg4[%add3A_63] : memref<2097152xf32, #tpu.memory_space<hbm>> -> memref<16384xf32, #tpu.memory_space<hbm>>
    %dma_wait3A_154 = arith.constant 0 : i32
    %dma_wait3A_155 = tpu.memref_slice %arg6[%dma_wait3A_148, %dma_wait3A_154] : memref<4x16384xf32, #tpu.memory_space<vmem>> -> memref<1x16384xf32, #tpu.memory_space<vmem>>
    %dma_wait3A_156 = tpu.memref_squeeze %dma_wait3A_155 : memref<1x16384xf32, #tpu.memory_space<vmem>> -> memref<16384xf32, #tpu.memory_space<vmem>>
    tpu.wait_dma2 semaphore(%arg12 : memref<!tpu.dma_semaphore, #tpu.memory_space<semaphore_mem>>) src(%dma_wait3A_156 : memref<16384xf32, #tpu.memory_space<vmem>>) dst(%dma_wait3A_153 : memref<16384xf32, #tpu.memory_space<hbm>>)
    %dma_wait3A_157 = arith.constant 1 : i32
    %dma_wait3A_158 = arith.constant 0 : i32
    %dma_wait3A_159 = tpu.memref_slice %arg6[%dma_wait3A_157, %dma_wait3A_158] : memref<4x16384xf32, #tpu.memory_space<vmem>> -> memref<1x16384xf32, #tpu.memory_space<vmem>>
    %dma_wait3A_160 = tpu.memref_squeeze %dma_wait3A_159 : memref<1x16384xf32, #tpu.memory_space<vmem>> -> memref<16384xf32, #tpu.memory_space<vmem>>
    %dma_wait3A_161 = tpu.memref_slice %arg4[%add3A_88] : memref<2097152xf32, #tpu.memory_space<hbm>> -> memref<16384xf32, #tpu.memory_space<hbm>>
    %dma_wait3A_162 = tpu.memref_slice %arg4[%add3A_88] : memref<2097152xf32, #tpu.memory_space<hbm>> -> memref<16384xf32, #tpu.memory_space<hbm>>
    %dma_wait3A_163 = arith.constant 0 : i32
    %dma_wait3A_164 = tpu.memref_slice %arg6[%dma_wait3A_157, %dma_wait3A_163] : memref<4x16384xf32, #tpu.memory_space<vmem>> -> memref<1x16384xf32, #tpu.memory_space<vmem>>
    %dma_wait3A_165 = tpu.memref_squeeze %dma_wait3A_164 : memref<1x16384xf32, #tpu.memory_space<vmem>> -> memref<16384xf32, #tpu.memory_space<vmem>>
    tpu.wait_dma2 semaphore(%arg13 : memref<!tpu.dma_semaphore, #tpu.memory_space<semaphore_mem>>) src(%dma_wait3A_165 : memref<16384xf32, #tpu.memory_space<vmem>>) dst(%dma_wait3A_162 : memref<16384xf32, #tpu.memory_space<hbm>>)
    %dma_wait3A_166 = arith.constant 2 : i32
    %dma_wait3A_167 = arith.constant 0 : i32
    %dma_wait3A_168 = tpu.memref_slice %arg6[%dma_wait3A_166, %dma_wait3A_167] : memref<4x16384xf32, #tpu.memory_space<vmem>> -> memref<1x16384xf32, #tpu.memory_space<vmem>>
    %dma_wait3A_169 = tpu.memref_squeeze %dma_wait3A_168 : memref<1x16384xf32, #tpu.memory_space<vmem>> -> memref<16384xf32, #tpu.memory_space<vmem>>
    %dma_wait3A_170 = tpu.memref_slice %arg4[%add3A_113] : memref<2097152xf32, #tpu.memory_space<hbm>> -> memref<16384xf32, #tpu.memory_space<hbm>>
    %dma_wait3A_171 = tpu.memref_slice %arg4[%add3A_113] : memref<2097152xf32, #tpu.memory_space<hbm>> -> memref<16384xf32, #tpu.memory_space<hbm>>
    %dma_wait3A_172 = arith.constant 0 : i32
    %dma_wait3A_173 = tpu.memref_slice %arg6[%dma_wait3A_166, %dma_wait3A_172] : memref<4x16384xf32, #tpu.memory_space<vmem>> -> memref<1x16384xf32, #tpu.memory_space<vmem>>
    %dma_wait3A_174 = tpu.memref_squeeze %dma_wait3A_173 : memref<1x16384xf32, #tpu.memory_space<vmem>> -> memref<16384xf32, #tpu.memory_space<vmem>>
    tpu.wait_dma2 semaphore(%arg14 : memref<!tpu.dma_semaphore, #tpu.memory_space<semaphore_mem>>) src(%dma_wait3A_174 : memref<16384xf32, #tpu.memory_space<vmem>>) dst(%dma_wait3A_171 : memref<16384xf32, #tpu.memory_space<hbm>>)
    %dma_wait3A_175 = arith.constant 3 : i32
    %dma_wait3A_176 = arith.constant 0 : i32
    %dma_wait3A_177 = tpu.memref_slice %arg6[%dma_wait3A_175, %dma_wait3A_176] : memref<4x16384xf32, #tpu.memory_space<vmem>> -> memref<1x16384xf32, #tpu.memory_space<vmem>>
    %dma_wait3A_178 = tpu.memref_squeeze %dma_wait3A_177 : memref<1x16384xf32, #tpu.memory_space<vmem>> -> memref<16384xf32, #tpu.memory_space<vmem>>
    %dma_wait3A_179 = tpu.memref_slice %arg4[%add3A_138] : memref<2097152xf32, #tpu.memory_space<hbm>> -> memref<16384xf32, #tpu.memory_space<hbm>>
    %dma_wait3A_180 = tpu.memref_slice %arg4[%add3A_138] : memref<2097152xf32, #tpu.memory_space<hbm>> -> memref<16384xf32, #tpu.memory_space<hbm>>
    %dma_wait3A_181 = arith.constant 0 : i32
    %dma_wait3A_182 = tpu.memref_slice %arg6[%dma_wait3A_175, %dma_wait3A_181] : memref<4x16384xf32, #tpu.memory_space<vmem>> -> memref<1x16384xf32, #tpu.memory_space<vmem>>
    %dma_wait3A_183 = tpu.memref_squeeze %dma_wait3A_182 : memref<1x16384xf32, #tpu.memory_space<vmem>> -> memref<16384xf32, #tpu.memory_space<vmem>>
    tpu.wait_dma2 semaphore(%arg15 : memref<!tpu.dma_semaphore, #tpu.memory_space<semaphore_mem>>) src(%dma_wait3A_183 : memref<16384xf32, #tpu.memory_space<vmem>>) dst(%dma_wait3A_180 : memref<16384xf32, #tpu.memory_space<hbm>>)
    return
  }
}

</mosaic_0001>

<sc_bundles>
// kernel: kernel.3.cloned.1.call-start
scs
__scs_entry_jumppad:
0x0: {  	(pc) =	sbr.rel $0x88, $3  }
0x1: {  	(tag) =	ssettag $0x0;
	lr =	simm.s32 $0x1  }
0x2: {  	[smem:$0x3F9F] =	sst lr;
	_ =	strace $0xD0000000  }
0x3: {  	_ = 	snop  }
0x4: {  	_ = 	snop  }
0x5: {  	_ = 	snop  }
0x6: {  	_ = 	snop  }
0x7: {  	_ = 	snop  }
__scs_overlays_trampoline_lowered:
0x8: {  	[smem:$0x3FAE] =	sst s0  }
0x9: {  	[smem:$0x3FAF] =	sst s1  }
0xa: {  	[smem:$0x3FB0] =	sst s2  }
0xb: {  	[smem:$0x3FB1] =	sst s3  }
0xc: {  	[smem:$0x3FB2] =	sst s4  }
0xd: {  	[smem:$0x3FB3] =	sst s5  }
0xe: {  	[smem:$0x3FB4] =	sst s6  }
0xf: {  	[smem:$0x3FB5] =	sst s7  }
0x10: {  	[smem:$0x3FB6] =	sst s8  }
0x11: {  	[smem:$0x3FB7] =	sst s9;
	s0 =	simm.s32 @!p0 $0x0  }
0x12: {  	s1 =	sld [smem:$0x3F9D];
	s0 =	simm.s32 @p0 $0x1  }
0x13: {  	[smem:$0x3FB8] =	sst s0;
	s0 =	simm.s32 @!p1 $0x0  }
0x14: {  	s2 =	sld [smem:$0x3F9C];
	s0 =	simm.s32 @p1 $0x1  }
0x15: {  	[smem:$0x3FB9] =	sst s0;
	s0 =	simm.s32 @!p2 $0x0  }
0x16: {  	s3 =	sld [smem:$0x3FDB];
	s0 =	simm.s32 @p2 $0x1  }
0x17: {  	s4 =	simm.s32 $0x1BF5;
	[smem:$0x3FBB] =	sst s0  }
0x18: {  	s0 =	sld [smem:$0x3F9E];
	_ =	swait.ge [sflag:s4], $0x0  }
0x19: {  	s7 =	sld [smem:$0x3F9F]  }
0x1a: {  	s8 =	sadd.s32 $0xFFFFE003, lr  }
0x1b: {  	s9 =	sadd.s32 $0xFFFFFEF7, lr;
	s5 =	simm.s32 $0xFFFFFFFF;
	p2 =	slt.u32 s8, $0xFFFFF086  }
0x1c: {  	p1 =	slt.u32 s9, $0xF7A;
	s5 =	simm.s32 @!p2 $0x0  }
0x1d: {  	s5 =	simm.s32 @p1 $0x1;
	p0 =	seq.s32 s7, s2  }
0x1e: {  	s7 =	smul.u32 @!p0 $0xF7A, s2;
	p2 =	seq.s32 @!p0 s5, $0x0  }
0x1f: {  	s9 =	smul.u32 $0xF7A, s1;
	s8 =	simm.s32 @!p0 $0x1BF5;
	p2 =	por !p2, p0  }
0x20: {  	[sflag:s8] =	ssyncset.s32 @!p0 $0xFFFFF086;
	s6 =	sadd.s32 @!p0 s3, s7;
	s7 =	simm.s32 @!p0 $0x108  }
0x21: {  	s3 =	sadd.s32 s3, s9;
	s6 =	sadd.s32 @!p0 $0x88, s6;
	s7 =	simm.s32 @p2 $0x1082  }
0x22: {  	[simem:s7], [sflag:s8] =	dma.local @!p0 [hbm:s6], $0xF7A  }
0x23: {  	s9 =	sor.u32 $0xD0000000, s2;
	s6 =	simm.s32 $0x108;
	_ =	swait.ge @!p0 [sflag:s8], $0x0  }
0x24: {  	s3 =	sadd.s32 $0x88, s3;
	s6 =	simm.s32 @!p1 $0x1082;
	[sflag:s4] =	ssyncset.s32 $0xFFFFF086  }
0x25: {  	[simem:s6], [sflag:s4] =	dma.local [hbm:s3], $0xF7A  }
0x26: {  	[smem:$0x3F9F] =	sst s1;
	(tag) =	ssettag s2;
	_ =	strace s9  }
0x27: {  	s1 =	sld [smem:$0x3FAF]  }
0x28: {  	s2 =	sld [smem:$0x3FB0]  }
0x29: {  	s4 =	sld [smem:$0x3FB2]  }
0x2a: {  	p0 =	seq.s32 s5, $0x0;
	s5 =	sld [smem:$0x3FB3]  }
0x2b: {  	s6 =	sld [smem:$0x3FB4]  }
0x2c: {  	s7 =	sld [smem:$0x3FB5]  }
0x2d: {  	s3 =	simm.s32 $0x108;
	s8 =	sld [smem:$0x3FB6]  }
0x2e: {  	s3 =	simm.s32 @!p0 $0x1082;
	s9 =	sld [smem:$0x3FB7]  }
0x2f: {  	lr =	sadd.s32 s0, s3;
	s0 =	sld [smem:$0x3FAE]  }
0x30: {  	s3 =	sld [smem:$0x3FB1]  }
0x31: {  	[smem:$0x3FBA] =	sst s10  }
0x32: {  	s10 =	sld [smem:$0x3FB8];
	_ =	sdelay $0x3  }
0x33: {  	p0 =	seq.s32 s10, $0x1;
	s10 =	sld [smem:$0x3FBA];
	_ =	sdelay $0x3  }
0x34: {  	[smem:$0x3FBA] =	sst s10  }
0x35: {  	s10 =	sld [smem:$0x3FB9];
	_ =	sdelay $0x3  }
0x36: {  	p1 =	seq.s32 s10, $0x1;
	s10 =	sld [smem:$0x3FBA];
	_ =	sdelay $0x3  }
0x37: {  	[smem:$0x3FBA] =	sst s10  }
0x38: {  	s10 =	sld [smem:$0x3FBB]  }
0x39: {  	_ = 	snop;
	(pc) =	sbr.ind lr, $3  }
0x3a: {  	_ = 	snop  }
0x3b: {  	_ = 	snop  }
0x3c: {  	p2 =	seq.s32 s10, $0x1;
	s10 =	sld [smem:$0x3FBA]  }
0x3d: {  	_ =	shalt  }
0x3e: {  	_ =	shalt  }
0x3f: {  	_ =	shalt  }
0x40: {  	_ =	shalt  }
0x41: {  	_ =	shalt  }
0x42: {  	_ =	shalt  }
0x43: {  	_ =	shalt  }
0x44: {  	_ =	shalt  }
0x45: {  	_ =	shalt  }
0x46: {  	_ =	shalt  }
0x47: {  	_ =	shalt  }
0x48: {  	_ =	shalt  }
0x49: {  	_ =	shalt  }
0x4a: {  	_ =	shalt  }
0x4b: {  	_ =	shalt  }
0x4c: {  	_ =	shalt  }
0x4d: {  	_ =	shalt  }
0x4e: {  	_ =	shalt  }
0x4f: {  	_ =	shalt  }
0x50: {  	_ =	shalt  }
0x51: {  	_ =	shalt  }
0x52: {  	_ =	shalt  }
0x53: {  	_ =	shalt  }
0x54: {  	_ =	shalt  }
0x55: {  	_ =	shalt  }
0x56: {  	_ =	shalt  }
0x57: {  	_ =	shalt  }
0x58: {  	_ =	shalt  }
0x59: {  	_ =	shalt  }
0x5a: {  	_ =	shalt  }
0x5b: {  	_ =	shalt  }
0x5c: {  	_ =	shalt  }
0x5d: {  	_ =	shalt  }
0x5e: {  	_ =	shalt  }
0x5f: {  	_ =	shalt  }
0x60: {  	_ =	shalt  }
0x61: {  	_ =	shalt  }
0x62: {  	_ =	shalt  }
0x63: {  	_ =	shalt  }
0x64: {  	_ =	shalt  }
0x65: {  	_ =	shalt  }
0x66: {  	_ =	shalt  }
0x67: {  	_ =	shalt  }
0x68: {  	_ =	shalt  }
0x69: {  	_ =	shalt  }
0x6a: {  	_ =	shalt  }
0x6b: {  	_ =	shalt  }
0x6c: {  	_ =	shalt  }
0x6d: {  	_ =	shalt  }
0x6e: {  	_ =	shalt  }
0x6f: {  	_ =	shalt  }
0x70: {  	_ =	shalt  }
0x71: {  	_ =	shalt  }
0x72: {  	_ =	shalt  }
0x73: {  	_ =	shalt  }
0x74: {  	_ =	shalt  }
0x75: {  	_ =	shalt  }
0x76: {  	_ =	shalt  }
0x77: {  	_ =	shalt  }
0x78: {  	_ =	shalt  }
0x79: {  	_ =	shalt  }
0x7a: {  	_ =	shalt  }
0x7b: {  	_ =	shalt  }
0x7c: {  	_ =	shalt  }
0x7d: {  	_ =	shalt  }
0x7e: {  	_ =	shalt  }
0x7f: {  	_ =	shalt  }
0x80: {  	_ =	shalt  }
0x81: {  	_ =	shalt  }
0x82: {  	_ =	shalt  }
0x83: {  	_ =	shalt  }
0x84: {  	_ =	shalt  }
0x85: {  	_ =	shalt  }
0x86: {  	_ =	shalt  }
0x87: {  	_ =	shalt  }
.Lfunc_end0:
.L_simem_size_0:
called_computation_lowered:
.L_overlay_start_0:
0x88: {  	s2 =	sld [smem:$0x3FD9]  }
0x89: {  	s3 =	sld [smem:$0x3FFE];
	_ =	sdelay $0x1  }
0x8a: {  	s1 =	srdreg.scid  }
0x8b: {  	s0 =	sand.u32 $0x1, s1  }
0x8c: {  	s18 =	sshll.u32 s0, $0xA;
	s2 =	sadd.s32 s3, s2  }
0x8d: {  	s2 =	sadd.s32 s2, s18  }
0x8e: {  	[smem:$0x3FC6] =	sst s2  }
0x8f: {  	_ = 	snop  }
0x90: {  	s2 =	sld [smem:$0x3FC9]  }
0x91: {  	s19 =	sld [smem:$0x3FC8]  }
0x92: {  	s4 =	sld [smem:$0x3FD0];
	(tm) =	ssettm $0x1  }
0x93: {  	s5 =	sld [smem:$0x3FFB];
	_ =	sdelay $0x3  }
0x94: {  	_ =	strace s5  }
0x95: {  	s5 =	sld [smem:$0x3FFC];
	_ =	sdelay $0x3  }
0x96: {  	_ =	strace s5  }
0x97: {  	s5 =	sld [smem:$0x3FFD];
	_ =	sdelay $0x3  }
0x98: {  	_ =	strace s5  }
0x99: {  	_ =	strace $0x8FFFFFFF  }
0x9a: {  	s20 =	sld [smem:$0x3FDB];
	_ =	sdelay $0x1  }
0x9b: {  	s6 =	simm.s32 $_scs_section_size  }
0x9c: {  	s7 =	simm.s32 $_size__tile_overlayer_lowered;
	s8 =	simm.s32 $_tile_overlayer_lowered  }
0x9d: {  	s23 =	simm.s32 $0x1BFF;
	s22 =	sshll.u32 s8, $0x1;
	s5 =	sadd.s32 s6, s20  }
0x9e: {  	s9 =	simm.s32 $0x0;
	s21 =	sshll.u32 s7, $0x1;
	s7 =	sadd.s32 s22, s5  }
0x9f: {  	[timem:s9], [sflag:s23] =	dma.local [hbm:s7], s21  }
0xa0: {  	_ =	swait.ge [sflag:s23], s21  }
0xa1: {  	s6 =	ssub.s32 $0x0, s21;
	[sflag:s23] =	ssyncset.done $0x0  }
0xa2: {  	[sflag:s23] =	ssyncadd.s32 s6;
	_ =	sdelay $0x1  }
0xa3: {  	s24 =	simm.s32 $0x1B8B  }
0xa4: {  	_ =	swait.ge [sflag:s24], $0x1  }
0xa5: {  	[sflag:s24] =	ssyncset.done $0x0  }
0xa6: {  	s25 =	simm.s32 $0x1B8E;
	[sflag:s24] =	ssyncadd.s32 $0xFFFFFFFF  }
0xa7: {  	s26 =	simm.s32 $execute0_lowered;
	[smem:$0x3FD2] =	sst s25  }
0xa8: {  	s6 =	sshll.u32 s26, $0x1;
	_ =	strace $0x80000046;
	[dreg:$0x1] =	wrdreg $0xFFFFFFFF  }
0xa9: {  	s28 =	simm.s32 $_size_execute0_lowered;
	s5 =	sadd.s32 s5, s6;
	[dreg:$0x0] =	wrdreg $0x0  }
0xaa: {  	s6 =	sshll.u32 s28, $0x1;
	[dreg:$0x2] =	wrdreg s5  }
0xab: {  	[dreg:$0x3] =	wrdreg s6  }
0xac: {  	[dreg:$0x4] =	wrdreg $0xC0  }
0xad: {  	_ =	task [dreg:s9], $0x5FFFF  }
0xae: {  	[dreg:$0x1] =	wrdreg $0xFFFFFFFF  }
0xaf: {  	[dreg:$0x0] =	wrdreg $0x60  }
0xb0: {  	[dreg:$0x2] =	wrdreg s2  }
0xb1: {  	[dreg:$0x3] =	wrdreg s19  }
0xb2: {  	[dreg:$0x4] =	wrdreg s4  }
0xb3: {  	[dreg:$0x5] =	wrdreg $0x9  }
0xb4: {  	_ =	task.clear_ibuf [dreg:s9], $0x6FFFF;
	_ =	strace $0x90000046  }
0xb5: {  	s29 =	simm.s32 $0x9;
	_ =	strace $0x80000048  }
0xb6: {  	_ =	swait.ge [sflag:s29], $0x1  }
0xb7: {  	[sflag:s29] =	ssyncadd.s32 $0xFFFFFFFF  }
0xb8: {  	_ =	strace $0x90000048  }
0xb9: {  	_ =	sfence  }
0xba: {  	s30 =	sld [smem:$0x0];
	_ =	sdelay $0x2  }
0xbb: {  	s31 =	sshll.u32 s1, $0xD;
	s1 =	sshrl.u32 s1, $0x2  }
0xbc: {  	s3 =	sand.u32 $0x4000, s31;
	s1 =	sadd.s32 s1, s30  }
0xbd: {  	s0 =	sor.u32 s3, s0;
	s1 =	sshll.u32 s1, $0x11  }
0xbe: {  	s0 =	sor.u32 s1, s0  }
0xbf: {  	s0 =	sadd.s32 $0x8F2B, s0  }
0xc0: {  	[sflag:s0] =	ssyncadd.remote.s32 $0x1  }
0xc1: {  	_ =	sfence.sel $0xFFFF  }
0xc2: {  	[dreg:$0x0] =	wrdreg $0xFFFFFFFF;
	(pc) =	sbr.abs _section_cstart, $3  }
0xc3: {  	[dreg:$0x1] =	wrdreg $0xFFFFFFFF  }
0xc4: {  	_ =	task.clear_ibuf [dreg:s9], $0x2FFFF;
	_ =	strace $0x9FFFFFFF  }
0xc5: {  	(tm) =	ssettm $0x7FFFFFFF  }
tec
execute0_lowered:
.L_overlay_start_1:
0x0: {  	(tag) =	ssettag $0x1  }
0x1: {  	s7 =	rddreg [dreg:$0x0]  }
0x2: {  	s3 =	rddreg [dreg:$0x1]  }
0x3: {  	s11 =	rddreg [dreg:$0x2]  }
0x4: {  	s0 =	rddreg [dreg:$0x3];
	s2 =	simm.s32 $0x0;
	s4 =	srdreg.scid  }
0x5: {  	s1 =	stileid.u32;
	s15 =	simm.s32 $0x3;
	s16 =	simm.s32 $0x4  }
0x6: {  	s17 =	simm.s32 $0x5;
	s18 =	simm.s32 $0x6;
	s19 =	simm.s32 $0x7  }
0x7: {  	s20 =	simm.s32 $0x8;
	s21 =	simm.s32 $0x9;
	s4 =	sand.u32 $0x1, s4  }
0x8: {  	s22 =	simm.s32 $0x0;
	[smem:$0x7FF] =	sst s2;
	s5 =	ssub.s32 $0x2, s4  }
0x9: {  	s6 =	sshll.u32 s1, $0xC;
	s4 =	sshll.u32 s4, $0xB;
	s8 =	sshrl.u32 s5, $0x1  }
0xa: {  	_ =	strace $0x80000047;
	s9 =	sor.u32 s4, s6;
	s12 =	ssub.s32 s5, s8  }
0xb: {  	s3 =	sadd.s32 s3, s9;
	s4 =	sadd.s32 s7, s9;
	s10 =	sor.u32 $0x10000, s9  }
0xc: {  	s13 =	sor.u32 $0x20000, s9;
	s14 =	sor.u32 $0x30000, s9;
	s8 =	sadd.s32 s11, s9  }
0xd: {  	s5 =	sadd.s32 s7, s10;
	s6 =	sadd.s32 s7, s13;
	s7 =	sadd.s32 s7, s14  }
0xe: {  	s9 =	sadd.s32 s11, s10;
	s10 =	sadd.s32 s11, s13;
	s11 =	sadd.s32 s11, s14  }
0xf: {  	s12 =	smax.u32 s12, $0x1;
	s13 =	simm.s32 $0x1;
	s14 =	simm.s32 $0x2  }
.LBB2_1:
0x10: {  	[tilespmem:s2], [sflag:$0x1] =	stream.linear.gather [hbm4b:s3+s2], $0x4000, $0x38;
	[tilespmem:$0x14000] =	vst v63  }
0x11: {  	s23 =	simm.s32 $0x4000  }
0x12: {  	s24 =	simm.s32 $0x10;
	s26 =	sadd.s32 $0x0, s4;
	s25 =	simm.s32 $0x4200  }
.LBB2_2:
0x13: {  	[tilespmem:s23], [sflag:$0x2] =	stream.linear.gather [hbm4b:s26+s2], $0x80, $0x38;
	[tilespmem:$0x14000] =	vst v63  }
0x14: {  	s26 =	smov.u32 s24;
	s23 =	smov.u32 s25;
	p0 =	sne.s32 s24, $0x7F0  }
.Ltmp0:
0x15: {  	s24 =	sadd.s32 $0x10, s24;
	(pc) =	sbr.rel @p0 .LBB2_2-.Ltmp0, $2  }
0x16: {  	_ =	sdelay $0x2  }
0x17: {  	s25 =	sadd.s32 $0x200, s25;
	s26 =	sadd.s32 s26, s4  }
0x18: {  	[tilespmem:s23], [sflag:$0x2] =	stream.linear.gather [hbm4b:s26+s2], $0x80, $0x38;
	[tilespmem:$0x14000] =	vst v63  }
0x19: {  	s23 =	simm.s32 $0x4080  }
0x1a: {  	s24 =	simm.s32 $0x10;
	s26 =	sadd.s32 $0x0, s5;
	s25 =	simm.s32 $0x4280  }
.LBB2_4:
0x1b: {  	[tilespmem:s23], [sflag:$0x3] =	stream.linear.gather [hbm4b:s26+s2], $0x80, $0x38;
	[tilespmem:$0x14000] =	vst v63  }
0x1c: {  	s26 =	smov.u32 s24;
	s23 =	smov.u32 s25;
	p0 =	sne.s32 s24, $0x7F0  }
.Ltmp1:
0x1d: {  	s24 =	sadd.s32 $0x10, s24;
	(pc) =	sbr.rel @p0 .LBB2_4-.Ltmp1, $2  }
0x1e: {  	_ =	sdelay $0x2  }
0x1f: {  	s25 =	sadd.s32 $0x200, s25;
	s26 =	sadd.s32 s26, s5  }
0x20: {  	[tilespmem:s23], [sflag:$0x3] =	stream.linear.gather [hbm4b:s26+s2], $0x80, $0x38;
	[tilespmem:$0x14000] =	vst v63  }
0x21: {  	s23 =	simm.s32 $0x4100  }
0x22: {  	s24 =	simm.s32 $0x10;
	s26 =	sadd.s32 $0x0, s6;
	s25 =	simm.s32 $0x4300  }
.LBB2_6:
0x23: {  	[tilespmem:s23], [sflag:$0x4] =	stream.linear.gather [hbm4b:s26+s2], $0x80, $0x38;
	[tilespmem:$0x14000] =	vst v63  }
0x24: {  	s26 =	smov.u32 s24;
	s23 =	smov.u32 s25;
	p0 =	sne.s32 s24, $0x7F0  }
.Ltmp2:
0x25: {  	s24 =	sadd.s32 $0x10, s24;
	(pc) =	sbr.rel @p0 .LBB2_6-.Ltmp2, $2  }
0x26: {  	_ =	sdelay $0x2  }
0x27: {  	s25 =	sadd.s32 $0x200, s25;
	s26 =	sadd.s32 s26, s6  }
0x28: {  	[tilespmem:s23], [sflag:$0x4] =	stream.linear.gather [hbm4b:s26+s2], $0x80, $0x38;
	[tilespmem:$0x14000] =	vst v63  }
0x29: {  	s23 =	simm.s32 $0x4180  }
0x2a: {  	s24 =	simm.s32 $0x10;
	s26 =	sadd.s32 $0x0, s7;
	s25 =	simm.s32 $0x4380  }
.LBB2_8:
0x2b: {  	[tilespmem:s23], [sflag:$0x5] =	stream.linear.gather [hbm4b:s26+s2], $0x80, $0x38;
	[tilespmem:$0x14000] =	vst v63  }
0x2c: {  	s26 =	smov.u32 s24;
	s23 =	smov.u32 s25;
	p0 =	sne.s32 s24, $0x7F0  }
.Ltmp3:
0x2d: {  	s24 =	sadd.s32 $0x10, s24;
	(pc) =	sbr.rel @p0 .LBB2_8-.Ltmp3, $2  }
0x2e: {  	_ =	sdelay $0x2  }
0x2f: {  	s25 =	sadd.s32 $0x200, s25;
	s26 =	sadd.s32 s26, s7  }
0x30: {  	[tilespmem:s23], [sflag:$0x5] =	stream.linear.gather [hbm4b:s26+s2], $0x80, $0x38;
	[tilespmem:$0x14000] =	vst v63  }
0x31: {  	_ =	swait.ge [sflag:s13], $0x4000  }
0x32: {  	[sflag:s13] =	ssyncset.done $0x0  }
0x33: {  	[sflag:s13] =	ssyncadd.s32 $0xFFFFC000  }
0x34: {  	_ =	swait.ge [sflag:s14], $0x4000  }
0x35: {  	[sflag:s14] =	ssyncset.done $0x0  }
0x36: {  	s23 =	simm.s32 $0x4040;
	[sflag:s14] =	ssyncadd.s32 $0xFFFFC000  }
0x37: {  	s24 =	simm.s32 $0x40;
	v1 =	vld [tilespmem:s23+$0x30]  }
0x38: {  	v2 =	vld [tilespmem:s24+$0x30]  }
0x39: {  	v0 =	vld [tilespmem:s24+$0xFFFFFFC0]  }
0x3a: {  	v3 =	vld [tilespmem:s23+$0xFFFFFFD0]  }
0x3b: {  	v4 =	vld [tilespmem:s24+$0xFFFFFFD0]  }
0x3c: {  	v5 =	vld [tilespmem:s23+$0xFFFFFFE0]  }
0x3d: {  	v6 =	vld [tilespmem:s24+$0xFFFFFFE0]  }
0x3e: {  	v7 =	vld [tilespmem:s23+$0xFFFFFFF0]  }
0x3f: {  	v8 =	vld [tilespmem:s24+$0xFFFFFFF0]  }
0x40: {  	v9 =	vld [tilespmem:s23+$0x0]  }
0x41: {  	v10 =	vld [tilespmem:s24+$0x0];
	v2 =	vadd.f32 v2, v1  }
0x42: {  	v4 =	vadd.f32 v4, v3;
	v1 =	vld [tilespmem:s23+$0x10]  }
0x43: {  	v5 =	vadd.f32 v6, v5;
	v3 =	vld [tilespmem:s24+$0x10];
	[tilespmem:s23+$0x30] =	vst v2  }
0x44: {  	v6 =	vadd.f32 v8, v7;
	[tilespmem:s23+$0xFFFFFFD0] =	vst v4;
	v2 =	vld [tilespmem:s23+$0x20]  }
0x45: {  	[tilespmem:s23+$0xFFFFFFE0] =	vst v5;
	v5 =	vld [tilespmem:s24+$0x20]  }
0x46: {  	s25 =	simm.s32 $0x0;
	s26 =	simm.s32 $0x4240;
	v4 =	vld [tilespmem:s23+$0xFFFFFFC0];
	[tilespmem:s23+$0xFFFFFFF0] =	vst v6;
	v6 =	vadd.f32 v10, v9  }
.LBB2_10:
0x47: {  	v7 =	vld [tilespmem:s26+$0x30];
	s24 =	sadd.s32 $0x80, s24  }
0x48: {  	s25 =	sadd.s32 $0x8, s25;
	v8 =	vld [tilespmem:s24+$0x30];
	[tilespmem:s23+$0x0] =	vst v6;
	v1 =	vadd.f32 v3, v1  }
0x49: {  	p0 =	slt.u32 s25, $0x3F8;
	v3 =	vld [tilespmem:s24+$0xFFFFFFC0]  }
0x4a: {  	v6 =	vld [tilespmem:s26+$0xFFFFFFD0];
	[tilespmem:s23+$0x10] =	vst v1;
	v1 =	vadd.f32 v5, v2  }
0x4b: {  	v2 =	vld [tilespmem:s24+$0xFFFFFFD0];
	v9 =	vadd.f32 v0, v4  }
0x4c: {  	v4 =	vld [tilespmem:s26+$0xFFFFFFE0];
	[tilespmem:s23+$0x20] =	vst v1  }
0x4d: {  	v1 =	vld [tilespmem:s24+$0xFFFFFFE0];
	v5 =	vadd.f32 v8, v7;
	[tilespmem:s23+$0xFFFFFFC0] =	vst v9;
	s23 =	smov.u32 s26  }
0x4e: {  	v7 =	vld [tilespmem:s26+$0xFFFFFFF0];
	v0 =	vmov v3  }
0x4f: {  	v8 =	vld [tilespmem:s24+$0xFFFFFFF0];
	[tilespmem:s26+$0x30] =	vst v5  }
0x50: {  	v2 =	vadd.f32 v2, v6;
	v6 =	vld [tilespmem:s26+$0x0]  }
0x51: {  	v9 =	vld [tilespmem:s24+$0x0]  }
.Ltmp4:
0x52: {  	[tilespmem:s26+$0xFFFFFFD0] =	vst v2;
	v2 =	vadd.f32 v1, v4;
	v1 =	vld [tilespmem:s26+$0x10];
	(pc) =	sbr.rel @p0 .LBB2_10-.Ltmp4, $4  }
0x53: {  	v3 =	vld [tilespmem:s24+$0x10]  }
0x54: {  	[tilespmem:s26+$0xFFFFFFE0] =	vst v2;
	v7 =	vadd.f32 v8, v7;
	v2 =	vld [tilespmem:s26+$0x20]  }
0x55: {  	v5 =	vld [tilespmem:s24+$0x20]  }
0x56: {  	s26 =	sadd.s32 $0x200, s26;
	v4 =	vld [tilespmem:s23+$0xFFFFFFC0];
	[tilespmem:s23+$0xFFFFFFF0] =	vst v7;
	v6 =	vadd.f32 v9, v6  }
0x57: {  	_ =	sdelay $0x1  }
0x58: {  	v1 =	vadd.f32 v3, v1  }
0x59: {  	[tilespmem:s23+$0x0] =	vst v6;
	v2 =	vadd.f32 v5, v2  }
0x5a: {  	[tilespmem:s23+$0x10] =	vst v1;
	v0 =	vadd.f32 v0, v4  }
0x5b: {  	s24 =	simm.s32 $0x4000;
	[tilespmem:s23+$0x20] =	vst v2  }
0x5c: {  	s26 =	sadd.s32 $0x0, s8;
	s25 =	simm.s32 $0x4200;
	[tilespmem:s23+$0xFFFFFFC0] =	vst v0;
	s23 =	simm.s32 $0x10  }
.LBB2_12:
0x5d: {  	[hbm4b:s26+s2] =	stream.linear.scatter [tilespmem:s24], [sflag:$0x6], $0x80, $0x38;
	[tilespmem:$0x14000] =	vst v63  }
0x5e: {  	s26 =	smov.u32 s23;
	s24 =	smov.u32 s25;
	p0 =	sne.s32 s23, $0x7F0  }
.Ltmp5:
0x5f: {  	s23 =	sadd.s32 $0x10, s23;
	(pc) =	sbr.rel @p0 .LBB2_12-.Ltmp5, $2  }
0x60: {  	_ =	sdelay $0x2  }
0x61: {  	s25 =	sadd.s32 $0x200, s25;
	s26 =	sadd.s32 s26, s8  }
0x62: {  	[hbm4b:s26+s2] =	stream.linear.scatter [tilespmem:s24], [sflag:$0x6], $0x80, $0x38;
	[tilespmem:$0x14000] =	vst v63  }
0x63: {  	_ =	swait.ge [sflag:s15], $0x4000  }
0x64: {  	[sflag:s15] =	ssyncset.done $0x0  }
0x65: {  	s23 =	simm.s32 $0x40F0;
	[sflag:s15] =	ssyncadd.s32 $0xFFFFC000  }
0x66: {  	s24 =	simm.s32 $0x40;
	v1 =	vld [tilespmem:s23+$0x0]  }
0x67: {  	v2 =	vld [tilespmem:s24+$0x30]  }
0x68: {  	v0 =	vld [tilespmem:s24+$0xFFFFFFC0]  }
0x69: {  	v3 =	vld [tilespmem:s23+$0xFFFFFFA0]  }
0x6a: {  	v4 =	vld [tilespmem:s24+$0xFFFFFFD0]  }
0x6b: {  	v5 =	vld [tilespmem:s23+$0xFFFFFFB0]  }
0x6c: {  	v6 =	vld [tilespmem:s24+$0xFFFFFFE0]  }
0x6d: {  	v7 =	vld [tilespmem:s23+$0xFFFFFFC0]  }
0x6e: {  	v8 =	vld [tilespmem:s24+$0xFFFFFFF0]  }
0x6f: {  	v9 =	vld [tilespmem:s23+$0xFFFFFFD0]  }
0x70: {  	v10 =	vld [tilespmem:s24+$0x0];
	v2 =	vadd.f32 v2, v1  }
0x71: {  	v4 =	vadd.f32 v4, v3;
	v1 =	vld [tilespmem:s23+$0xFFFFFFE0]  }
0x72: {  	v5 =	vadd.f32 v6, v5;
	v3 =	vld [tilespmem:s24+$0x10];
	[tilespmem:s23+$0x0] =	vst v2  }
0x73: {  	v6 =	vadd.f32 v8, v7;
	[tilespmem:s23+$0xFFFFFFA0] =	vst v4;
	v2 =	vld [tilespmem:s23+$0xFFFFFFF0]  }
0x74: {  	[tilespmem:s23+$0xFFFFFFB0] =	vst v5;
	v5 =	vld [tilespmem:s24+$0x20]  }
0x75: {  	s25 =	simm.s32 $0x0;
	s26 =	simm.s32 $0x42F0;
	v4 =	vld [tilespmem:s23+$0xFFFFFF90];
	[tilespmem:s23+$0xFFFFFFC0] =	vst v6;
	v6 =	vadd.f32 v10, v9  }
.LBB2_14:
0x76: {  	v7 =	vld [tilespmem:s26+$0x0];
	s24 =	sadd.s32 $0x80, s24  }
0x77: {  	s25 =	sadd.s32 $0x8, s25;
	v8 =	vld [tilespmem:s24+$0x30];
	[tilespmem:s23+$0xFFFFFFD0] =	vst v6;
	v1 =	vadd.f32 v3, v1  }
0x78: {  	p0 =	slt.u32 s25, $0x3F8;
	v3 =	vld [tilespmem:s24+$0xFFFFFFC0]  }
0x79: {  	v6 =	vld [tilespmem:s26+$0xFFFFFFA0];
	[tilespmem:s23+$0xFFFFFFE0] =	vst v1;
	v1 =	vadd.f32 v5, v2  }
0x7a: {  	v2 =	vld [tilespmem:s24+$0xFFFFFFD0];
	v9 =	vadd.f32 v0, v4  }
0x7b: {  	v4 =	vld [tilespmem:s26+$0xFFFFFFB0];
	[tilespmem:s23+$0xFFFFFFF0] =	vst v1  }
0x7c: {  	v1 =	vld [tilespmem:s24+$0xFFFFFFE0];
	v5 =	vadd.f32 v8, v7;
	[tilespmem:s23+$0xFFFFFF90] =	vst v9;
	s23 =	smov.u32 s26  }
0x7d: {  	v7 =	vld [tilespmem:s26+$0xFFFFFFC0];
	v0 =	vmov v3  }
0x7e: {  	v8 =	vld [tilespmem:s24+$0xFFFFFFF0];
	[tilespmem:s26+$0x0] =	vst v5  }
0x7f: {  	v2 =	vadd.f32 v2, v6;
	v6 =	vld [tilespmem:s26+$0xFFFFFFD0]  }
0x80: {  	v9 =	vld [tilespmem:s24+$0x0]  }
.Ltmp6:
0x81: {  	[tilespmem:s26+$0xFFFFFFA0] =	vst v2;
	v2 =	vadd.f32 v1, v4;
	v1 =	vld [tilespmem:s26+$0xFFFFFFE0];
	(pc) =	sbr.rel @p0 .LBB2_14-.Ltmp6, $4  }
0x82: {  	v3 =	vld [tilespmem:s24+$0x10]  }
0x83: {  	[tilespmem:s26+$0xFFFFFFB0] =	vst v2;
	v7 =	vadd.f32 v8, v7;
	v2 =	vld [tilespmem:s26+$0xFFFFFFF0]  }
0x84: {  	v5 =	vld [tilespmem:s24+$0x20]  }
0x85: {  	s26 =	sadd.s32 $0x200, s26;
	v4 =	vld [tilespmem:s23+$0xFFFFFF90];
	[tilespmem:s23+$0xFFFFFFC0] =	vst v7;
	v6 =	vadd.f32 v9, v6  }
0x86: {  	_ =	sdelay $0x1  }
0x87: {  	v1 =	vadd.f32 v3, v1  }
0x88: {  	[tilespmem:s23+$0xFFFFFFD0] =	vst v6;
	v2 =	vadd.f32 v5, v2  }
0x89: {  	[tilespmem:s23+$0xFFFFFFE0] =	vst v1;
	v0 =	vadd.f32 v0, v4  }
0x8a: {  	s24 =	simm.s32 $0x4080;
	[tilespmem:s23+$0xFFFFFFF0] =	vst v2  }
0x8b: {  	s26 =	sadd.s32 $0x0, s9;
	s25 =	simm.s32 $0x4280;
	[tilespmem:s23+$0xFFFFFF90] =	vst v0;
	s23 =	simm.s32 $0x10  }
.LBB2_16:
0x8c: {  	[hbm4b:s26+s2] =	stream.linear.scatter [tilespmem:s24], [sflag:$0x7], $0x80, $0x38;
	[tilespmem:$0x14000] =	vst v63  }
0x8d: {  	s26 =	smov.u32 s23;
	s24 =	smov.u32 s25;
	p0 =	sne.s32 s23, $0x7F0  }
.Ltmp7:
0x8e: {  	s23 =	sadd.s32 $0x10, s23;
	(pc) =	sbr.rel @p0 .LBB2_16-.Ltmp7, $2  }
0x8f: {  	_ =	sdelay $0x2  }
0x90: {  	s25 =	sadd.s32 $0x200, s25;
	s26 =	sadd.s32 s26, s9  }
0x91: {  	[hbm4b:s26+s2] =	stream.linear.scatter [tilespmem:s24], [sflag:$0x7], $0x80, $0x38;
	[tilespmem:$0x14000] =	vst v63  }
0x92: {  	_ =	swait.ge [sflag:s16], $0x4000  }
0x93: {  	[sflag:s16] =	ssyncset.done $0x0  }
0x94: {  	s23 =	simm.s32 $0x4170;
	[sflag:s16] =	ssyncadd.s32 $0xFFFFC000  }
0x95: {  	s24 =	simm.s32 $0x40;
	v1 =	vld [tilespmem:s23+$0x0]  }
0x96: {  	v2 =	vld [tilespmem:s24+$0x30]  }
0x97: {  	v0 =	vld [tilespmem:s24+$0xFFFFFFC0]  }
0x98: {  	v3 =	vld [tilespmem:s23+$0xFFFFFFA0]  }
0x99: {  	v4 =	vld [tilespmem:s24+$0xFFFFFFD0]  }
0x9a: {  	v5 =	vld [tilespmem:s23+$0xFFFFFFB0]  }
0x9b: {  	v6 =	vld [tilespmem:s24+$0xFFFFFFE0]  }
0x9c: {  	v7 =	vld [tilespmem:s23+$0xFFFFFFC0]  }
0x9d: {  	v8 =	vld [tilespmem:s24+$0xFFFFFFF0]  }
0x9e: {  	v9 =	vld [tilespmem:s23+$0xFFFFFFD0]  }
0x9f: {  	v10 =	vld [tilespmem:s24+$0x0];
	v2 =	vadd.f32 v2, v1  }
0xa0: {  	v4 =	vadd.f32 v4, v3;
	v1 =	vld [tilespmem:s23+$0xFFFFFFE0]  }
0xa1: {  	v5 =	vadd.f32 v6, v5;
	v3 =	vld [tilespmem:s24+$0x10];
	[tilespmem:s23+$0x0] =	vst v2  }
0xa2: {  	v6 =	vadd.f32 v8, v7;
	[tilespmem:s23+$0xFFFFFFA0] =	vst v4;
	v2 =	vld [tilespmem:s23+$0xFFFFFFF0]  }
0xa3: {  	[tilespmem:s23+$0xFFFFFFB0] =	vst v5;
	v5 =	vld [tilespmem:s24+$0x20]  }
0xa4: {  	s25 =	simm.s32 $0x0;
	s26 =	simm.s32 $0x4370;
	v4 =	vld [tilespmem:s23+$0xFFFFFF90];
	[tilespmem:s23+$0xFFFFFFC0] =	vst v6;
	v6 =	vadd.f32 v10, v9  }
.LBB2_18:
0xa5: {  	v7 =	vld [tilespmem:s26+$0x0];
	s24 =	sadd.s32 $0x80, s24  }
0xa6: {  	s25 =	sadd.s32 $0x8, s25;
	v8 =	vld [tilespmem:s24+$0x30];
	[tilespmem:s23+$0xFFFFFFD0] =	vst v6;
	v1 =	vadd.f32 v3, v1  }
0xa7: {  	p0 =	slt.u32 s25, $0x3F8;
	v3 =	vld [tilespmem:s24+$0xFFFFFFC0]  }
0xa8: {  	v6 =	vld [tilespmem:s26+$0xFFFFFFA0];
	[tilespmem:s23+$0xFFFFFFE0] =	vst v1;
	v1 =	vadd.f32 v5, v2  }
0xa9: {  	v2 =	vld [tilespmem:s24+$0xFFFFFFD0];
	v9 =	vadd.f32 v0, v4  }
0xaa: {  	v4 =	vld [tilespmem:s26+$0xFFFFFFB0];
	[tilespmem:s23+$0xFFFFFFF0] =	vst v1  }
0xab: {  	v1 =	vld [tilespmem:s24+$0xFFFFFFE0];
	v5 =	vadd.f32 v8, v7;
	[tilespmem:s23+$0xFFFFFF90] =	vst v9;
	s23 =	smov.u32 s26  }
0xac: {  	v7 =	vld [tilespmem:s26+$0xFFFFFFC0];
	v0 =	vmov v3  }
0xad: {  	v8 =	vld [tilespmem:s24+$0xFFFFFFF0];
	[tilespmem:s26+$0x0] =	vst v5  }
0xae: {  	v2 =	vadd.f32 v2, v6;
	v6 =	vld [tilespmem:s26+$0xFFFFFFD0]  }
0xaf: {  	v9 =	vld [tilespmem:s24+$0x0]  }
.Ltmp8:
0xb0: {  	[tilespmem:s26+$0xFFFFFFA0] =	vst v2;
	v2 =	vadd.f32 v1, v4;
	v1 =	vld [tilespmem:s26+$0xFFFFFFE0];
	(pc) =	sbr.rel @p0 .LBB2_18-.Ltmp8, $4  }
0xb1: {  	v3 =	vld [tilespmem:s24+$0x10]  }
0xb2: {  	[tilespmem:s26+$0xFFFFFFB0] =	vst v2;
	v7 =	vadd.f32 v8, v7;
	v2 =	vld [tilespmem:s26+$0xFFFFFFF0]  }
0xb3: {  	v5 =	vld [tilespmem:s24+$0x20]  }
0xb4: {  	s26 =	sadd.s32 $0x200, s26;
	v4 =	vld [tilespmem:s23+$0xFFFFFF90];
	[tilespmem:s23+$0xFFFFFFC0] =	vst v7;
	v6 =	vadd.f32 v9, v6  }
0xb5: {  	_ =	sdelay $0x1  }
0xb6: {  	v1 =	vadd.f32 v3, v1  }
0xb7: {  	[tilespmem:s23+$0xFFFFFFD0] =	vst v6;
	v2 =	vadd.f32 v5, v2  }
0xb8: {  	[tilespmem:s23+$0xFFFFFFE0] =	vst v1;
	v0 =	vadd.f32 v0, v4  }
0xb9: {  	s24 =	simm.s32 $0x4100;
	[tilespmem:s23+$0xFFFFFFF0] =	vst v2  }
0xba: {  	s26 =	sadd.s32 $0x0, s10;
	s25 =	simm.s32 $0x4300;
	[tilespmem:s23+$0xFFFFFF90] =	vst v0;
	s23 =	simm.s32 $0x10  }
.LBB2_20:
0xbb: {  	[hbm4b:s26+s2] =	stream.linear.scatter [tilespmem:s24], [sflag:$0x8], $0x80, $0x38;
	[tilespmem:$0x14000] =	vst v63  }
0xbc: {  	s26 =	smov.u32 s23;
	s24 =	smov.u32 s25;
	p0 =	sne.s32 s23, $0x7F0  }
.Ltmp9:
0xbd: {  	s23 =	sadd.s32 $0x10, s23;
	(pc) =	sbr.rel @p0 .LBB2_20-.Ltmp9, $2  }
0xbe: {  	_ =	sdelay $0x2  }
0xbf: {  	s25 =	sadd.s32 $0x200, s25;
	s26 =	sadd.s32 s26, s10  }
0xc0: {  	[hbm4b:s26+s2] =	stream.linear.scatter [tilespmem:s24], [sflag:$0x8], $0x80, $0x38;
	[tilespmem:$0x14000] =	vst v63  }
0xc1: {  	_ =	swait.ge [sflag:s17], $0x4000  }
0xc2: {  	[sflag:s17] =	ssyncset.done $0x0  }
0xc3: {  	s23 =	simm.s32 $0x41F0;
	[sflag:s17] =	ssyncadd.s32 $0xFFFFC000  }
0xc4: {  	s24 =	simm.s32 $0x40;
	v1 =	vld [tilespmem:s23+$0x0]  }
0xc5: {  	v2 =	vld [tilespmem:s24+$0x30]  }
0xc6: {  	v0 =	vld [tilespmem:s24+$0xFFFFFFC0]  }
0xc7: {  	v3 =	vld [tilespmem:s23+$0xFFFFFFA0]  }
0xc8: {  	v4 =	vld [tilespmem:s24+$0xFFFFFFD0]  }
0xc9: {  	v5 =	vld [tilespmem:s23+$0xFFFFFFB0]  }
0xca: {  	v6 =	vld [tilespmem:s24+$0xFFFFFFE0]  }
0xcb: {  	v7 =	vld [tilespmem:s23+$0xFFFFFFC0]  }
0xcc: {  	v8 =	vld [tilespmem:s24+$0xFFFFFFF0]  }
0xcd: {  	v9 =	vld [tilespmem:s23+$0xFFFFFFD0]  }
0xce: {  	v10 =	vld [tilespmem:s24+$0x0];
	v2 =	vadd.f32 v2, v1  }
0xcf: {  	v4 =	vadd.f32 v4, v3;
	v1 =	vld [tilespmem:s23+$0xFFFFFFE0]  }
0xd0: {  	v5 =	vadd.f32 v6, v5;
	v3 =	vld [tilespmem:s24+$0x10];
	[tilespmem:s23+$0x0] =	vst v2  }
0xd1: {  	v6 =	vadd.f32 v8, v7;
	[tilespmem:s23+$0xFFFFFFA0] =	vst v4;
	v2 =	vld [tilespmem:s23+$0xFFFFFFF0]  }
0xd2: {  	[tilespmem:s23+$0xFFFFFFB0] =	vst v5;
	v5 =	vld [tilespmem:s24+$0x20]  }
0xd3: {  	s25 =	simm.s32 $0x0;
	s26 =	simm.s32 $0x43F0;
	v4 =	vld [tilespmem:s23+$0xFFFFFF90];
	[tilespmem:s23+$0xFFFFFFC0] =	vst v6;
	v6 =	vadd.f32 v10, v9  }
.LBB2_22:
0xd4: {  	v7 =	vld [tilespmem:s26+$0x0];
	s24 =	sadd.s32 $0x80, s24  }
0xd5: {  	s25 =	sadd.s32 $0x8, s25;
	v8 =	vld [tilespmem:s24+$0x30];
	[tilespmem:s23+$0xFFFFFFD0] =	vst v6;
	v1 =	vadd.f32 v3, v1  }
0xd6: {  	p0 =	slt.u32 s25, $0x3F8;
	v3 =	vld [tilespmem:s24+$0xFFFFFFC0]  }
0xd7: {  	v6 =	vld [tilespmem:s26+$0xFFFFFFA0];
	[tilespmem:s23+$0xFFFFFFE0] =	vst v1;
	v1 =	vadd.f32 v5, v2  }
0xd8: {  	v2 =	vld [tilespmem:s24+$0xFFFFFFD0];
	v9 =	vadd.f32 v0, v4  }
0xd9: {  	v4 =	vld [tilespmem:s26+$0xFFFFFFB0];
	[tilespmem:s23+$0xFFFFFFF0] =	vst v1  }
0xda: {  	v1 =	vld [tilespmem:s24+$0xFFFFFFE0];
	v5 =	vadd.f32 v8, v7;
	[tilespmem:s23+$0xFFFFFF90] =	vst v9;
	s23 =	smov.u32 s26  }
0xdb: {  	v7 =	vld [tilespmem:s26+$0xFFFFFFC0];
	v0 =	vmov v3  }
0xdc: {  	v8 =	vld [tilespmem:s24+$0xFFFFFFF0];
	[tilespmem:s26+$0x0] =	vst v5  }
0xdd: {  	v2 =	vadd.f32 v2, v6;
	v6 =	vld [tilespmem:s26+$0xFFFFFFD0]  }
0xde: {  	v9 =	vld [tilespmem:s24+$0x0]  }
.Ltmp10:
0xdf: {  	[tilespmem:s26+$0xFFFFFFA0] =	vst v2;
	v2 =	vadd.f32 v1, v4;
	v1 =	vld [tilespmem:s26+$0xFFFFFFE0];
	(pc) =	sbr.rel @p0 .LBB2_22-.Ltmp10, $4  }
0xe0: {  	v3 =	vld [tilespmem:s24+$0x10]  }
0xe1: {  	[tilespmem:s26+$0xFFFFFFB0] =	vst v2;
	v7 =	vadd.f32 v8, v7;
	v2 =	vld [tilespmem:s26+$0xFFFFFFF0]  }
0xe2: {  	v5 =	vld [tilespmem:s24+$0x20]  }
0xe3: {  	s26 =	sadd.s32 $0x200, s26;
	v4 =	vld [tilespmem:s23+$0xFFFFFF90];
	[tilespmem:s23+$0xFFFFFFC0] =	vst v7;
	v6 =	vadd.f32 v9, v6  }
0xe4: {  	_ =	sdelay $0x1  }
0xe5: {  	v1 =	vadd.f32 v3, v1  }
0xe6: {  	[tilespmem:s23+$0xFFFFFFD0] =	vst v6;
	v2 =	vadd.f32 v5, v2  }
0xe7: {  	[tilespmem:s23+$0xFFFFFFE0] =	vst v1;
	v0 =	vadd.f32 v0, v4  }
0xe8: {  	s24 =	simm.s32 $0x4180;
	[tilespmem:s23+$0xFFFFFFF0] =	vst v2  }
0xe9: {  	s26 =	sadd.s32 $0x0, s11;
	s25 =	simm.s32 $0x4380;
	[tilespmem:s23+$0xFFFFFF90] =	vst v0;
	s23 =	simm.s32 $0x10  }
.LBB2_24:
0xea: {  	[hbm4b:s26+s2] =	stream.linear.scatter [tilespmem:s24], [sflag:$0x9], $0x80, $0x38;
	[tilespmem:$0x14000] =	vst v63  }
0xeb: {  	s26 =	smov.u32 s23;
	s24 =	smov.u32 s25;
	p0 =	sne.s32 s23, $0x7F0  }
.Ltmp11:
0xec: {  	s23 =	sadd.s32 $0x10, s23;
	(pc) =	sbr.rel @p0 .LBB2_24-.Ltmp11, $2  }
0xed: {  	_ =	sdelay $0x2  }
0xee: {  	s25 =	sadd.s32 $0x200, s25;
	s26 =	sadd.s32 s26, s11  }
0xef: {  	[hbm4b:s26+s2] =	stream.linear.scatter [tilespmem:s24], [sflag:$0x9], $0x80, $0x38;
	[tilespmem:$0x14000] =	vst v63  }
0xf0: {  	_ =	swait.ge [sflag:s18], $0x4000  }
0xf1: {  	[sflag:s18] =	ssyncset.done $0x0  }
0xf2: {  	[sflag:s18] =	ssyncadd.s32 $0xFFFFC000  }
0xf3: {  	_ =	swait.ge [sflag:s19], $0x4000  }
0xf4: {  	[sflag:s19] =	ssyncset.done $0x0  }
0xf5: {  	s22 =	sadd.s32 $0x1, s22;
	[sflag:s19] =	ssyncadd.s32 $0xFFFFC000  }
0xf6: {  	p0 =	sne.s32 s22, s12;
	_ =	swait.ge [sflag:s20], $0x4000  }
.Ltmp12:
0xf7: {  	[sflag:s20] =	ssyncset.done $0x0;
	(pc) =	sbr.rel @p0 .LBB2_1-.Ltmp12, $4  }
0xf8: {  	[sflag:s20] =	ssyncadd.s32 $0xFFFFC000  }
0xf9: {  	_ =	swait.ge [sflag:s21], $0x4000  }
0xfa: {  	[sflag:s21] =	ssyncset.done $0x0  }
0xfb: {  	[sflag:s21] =	ssyncadd.s32 $0xFFFFC000  }
0xfc: {  	_ =	sfence.sel $0x180000  }
0xfd: {  	[bflag:$0x0] =	sbarrier.arrive $0xFFFF  }
0xfe: {  	p0 =	sne.s32 s1, $0x0;
	_ =	strace $0x90000047  }
0xff: {  	s0 =	sadd.s32 @!p0 $0x100000, s0;
	[bflag:$0x2] =	sbarrier.arrive $0xFFFF  }
0x100: {  	[sflag:s0] =	ssyncadd.tile.s32 @!p0 $0x1;
	_ =	shalt  }
.Lfunc_end2:
_tile_overlayer_lowered:
.L_overlay_start_2:
0x101: {  	(tag) =	ssettag $0x2  }
0x102: {  	s0 =	rddreg [dreg:$0x0];
	s2 =	stileid.u32  }
0x103: {  	s1 =	rddreg [dreg:$0x1];
	p0 =	sne.s32 s2, $0x0  }
0x104: {  	s3 =	rddreg [dreg:$0x2];
	[bflag:$0x3] =	sbarrier.arrive $0xFFFF;
	s2 =	simm.s32 @!p0 $0x1C0A  }
0x105: {  	[timem:s3], [sflag:s2] =	dma.local @!p0 [hbm:s0], s1  }
0x106: {  	s0 =	simm.s32 @!p0 $0xA  }
0x107: {  	_ =	swait.ge @!p0 [sflag:s0], s1  }
0x108: {  	s1 =	ssub.s32 @!p0 $0x0, s1;
	[sflag:s0] =	ssyncset.done @!p0 $0x0  }
0x109: {  	[sflag:s0] =	ssyncadd.s32 @!p0 s1  }
0x10a: {  	[bflag:$0x3] =	sbarrier.arrive $0xFFFF  }
0x10b: {  	_ =	shalt  }

</sc_bundles>
